<compile_context>
chip_gen: v7x
topology: tpu7x:2x2x1
jax: 0.10.2.dev20260603
libtpu: 0.0.44.dev20260713+nightly
codegen_flags: <defaults>
</compile_context>

<pallas_src>
import jax
import jax.numpy as jnp
from jax import lax
from jax.experimental import pallas as pl
from jax.experimental.pallas import tpu as pltpu
from jax.experimental.pallas import tpu_sc as plsc

B, N = 64, 32768
K = 8
L = 16
NC, NS = 2, 16
NW = NC * NS
ROWS_PER_W = B // NW
CHUNKS = N // L
CHAINS = 8
STEPS = CHUNKS // CHAINS

NEG_INF = float("-inf")


def _merge(a, b):
    return jnp.sort(jnp.maximum(a, lax.rev(b, (0,))))


def _sc_topk_body(scores_hbm, seqlen_hbm, label_hbm, out_hbm,
                  row0_v, row1_v, seqlen_v, label_v, res_v, sem0, sem1):
    c = lax.axis_index("c")
    s = lax.axis_index("s")
    wid = s * NC + c
    r0 = wid * ROWS_PER_W

    cp0 = pltpu.async_copy(scores_hbm.at[r0], row0_v, sem0)
    cp1 = pltpu.async_copy(scores_hbm.at[r0 + 1], row1_v, sem1)
    pltpu.sync_copy(seqlen_hbm, seqlen_v)
    pltpu.sync_copy(label_hbm, label_v)

    lane = lax.iota(jnp.int32, L)

    def process_row(rowbuf, r):
        ridx = jnp.full((L,), r, jnp.int32)
        seql = plsc.load_gather(seqlen_v, [ridx])
        lab = plsc.load_gather(label_v, [ridx])

        def step(g, chains):
            base = g * (CHAINS * L)
            new_chains = []
            for j in range(CHAINS):
                off = base + j * L
                x = rowbuf[pl.ds(off, L)]
                idxv = lane + off
                x = jnp.where(idxv < seql, x, NEG_INF)
                new_chains.append(_merge(chains[j], jnp.sort(x)))
            return tuple(new_chains)

        init = tuple(jnp.full((L,), NEG_INF, jnp.float32) for _ in range(CHAINS))
        chains = list(lax.fori_loop(0, STEPS, step, init))
        while len(chains) > 1:
            chains = [_merge(chains[2 * i], chains[2 * i + 1])
                      for i in range(len(chains) // 2)]
        v = chains[0]
        top1 = jnp.max(v)
        mean8 = jnp.sum(jnp.where(lane >= L - K, v, jnp.float32(0.0))) * (1.0 / K)
        return jnp.where(lab == 0.0, top1, mean8)

    cp0.wait()
    vl0 = process_row(row0_v, r0)
    cp1.wait()
    vl1 = process_row(row1_v, r0 + 1)

    res = jnp.where(lane == 0, vl0, jnp.where(lane == 1, vl1, jnp.float32(0.0)))
    res_v[...] = res
    pltpu.sync_copy(res_v, out_hbm.at[wid])


_sc_topk = pl.kernel(
    _sc_topk_body,
    out_type=jax.ShapeDtypeStruct((NW, L), jnp.float32),
    mesh=plsc.VectorSubcoreMesh(core_axis_name="c", subcore_axis_name="s",
                                num_cores=NC, num_subcores=NS),
    compiler_params=pltpu.CompilerParams(needs_layout_passes=False),
    scratch_types=[
        pltpu.VMEM((N,), jnp.float32),
        pltpu.VMEM((N,), jnp.float32),
        pltpu.VMEM((B,), jnp.int32),
        pltpu.VMEM((B,), jnp.float32),
        pltpu.VMEM((L,), jnp.float32),
        pltpu.SemaphoreType.DMA,
        pltpu.SemaphoreType.DMA,
    ],
)


def _bce_body(vl_ref, lab_ref, out_ref):
    x = vl_ref[:, 0:ROWS_PER_W]
    y = lab_ref[...]
    t = jnp.maximum(x, 0.0) - x * y + jnp.log1p(jnp.exp(-jnp.abs(x)))
    out_ref[...] = jnp.mean(t).reshape(1, 1)


_bce = pl.pallas_call(
    _bce_body,
    out_shape=jax.ShapeDtypeStruct((1, 1), jnp.float32),
)


def kernel(scores, label, seqlen):
    packed = _sc_topk(scores, seqlen.astype(jnp.int32), label.astype(jnp.float32))
    lab2 = label.astype(jnp.float32).reshape(NW, ROWS_PER_W)
    return _bce(packed, lab2)[0, 0]

# --- scband reference (transcript-rebuilt; emitter-appended) ---
"""Pipeline reference for scband-clas-6957847020174 (READ-ONLY COPY).

The authoritative reference and input builder live on the scoring server;
editing this copy changes nothing except your own understanding.
"""

import jax, jax.numpy as jnp
import numpy as np

K = 8  # _cfg.k

def setup_inputs(seed: int = 0) -> dict:
    key = jax.random.key(seed)
    k1, k2, k3 = jax.random.split(key, 3)
    B, N = 64, 32768
    scores = jax.random.normal(k1, (B, N), dtype=jnp.float32)
    label = jax.random.randint(k2, (B,), 0, 2).astype(jnp.float32)
    # seqlen in [K, N) so every row has at least K valid entries
    seqlen = jnp.maximum(jax.random.randint(k3, (B,), 0, N), K).astype(jnp.int32)
    return {"scores": scores, "label": label, "seqlen": seqlen}


def reference(scores, label, seqlen):
    # pfu.uncrop with ncrops disabled (per_crop=False) -> identity
    B, N = scores.shape
    # fwd_topk: per-row top-k over the valid prefix scores[i, :seqlen[i]]
    valid = jnp.arange(N)[None, :] < seqlen[:, None]
    masked = jnp.where(valid, scores, -jnp.inf)
    topv, _ = jax.lax.top_k(masked, K)
    # get_k: 1 if label==0 else min(seqlen, K)  (k != -1 branch)
    k_i = jnp.where(label == 0, 1, jnp.minimum(seqlen, K)).astype(jnp.int32)
    sel = jnp.arange(K)[None, :] < k_i[:, None]
    vl_scores = jnp.sum(jnp.where(sel, topv, 0.0), axis=1) / k_i.astype(jnp.float32)
    # nn.BCEWithLogitsLoss (mean reduction), numerically stable form
    x, y = vl_scores, label
    L = jnp.mean(jnp.maximum(x, 0.0) - x * y + jnp.log1p(jnp.exp(-jnp.abs(x))))
    return L

if __name__ == "__main__":
    import jax
    _d = setup_inputs()
    print(jax.jit(kernel)(*tuple(_d.values())))

</pallas_src>

<mosaic_0001>
#map = affine_map<(d0, d1) -> (0, 0)>
#map1 = affine_map<(d0, d1) -> (0)>
module attributes {stable_mosaic.version = 14 : i64} {
  func.func @_sc_topk_body(%arg0: i32, %arg1: i32, %arg2: memref<64x32768xf32, #tpu.memory_space<hbm>>, %arg3: memref<64xi32, #tpu.memory_space<hbm>>, %arg4: memref<64xf32, #tpu.memory_space<hbm>>, %arg5: memref<32x16xf32, #tpu.memory_space<hbm>>, %arg6: memref<32768xf32, #tpu.memory_space<vmem>>, %arg7: memref<32768xf32, #tpu.memory_space<vmem>>, %arg8: memref<64xi32, #tpu.memory_space<vmem>>, %arg9: memref<64xf32, #tpu.memory_space<vmem>>, %arg10: memref<16xf32, #tpu.memory_space<vmem>>, %arg11: memref<!tpu.dma_semaphore, #tpu.memory_space<semaphore_mem>>, %arg12: memref<!tpu.dma_semaphore, #tpu.memory_space<semaphore_mem>>) attributes {dimension_semantics = [#tpu.dimension_semantics<core_parallel>, #tpu.dimension_semantics<subcore_parallel>], iteration_bounds = array<i64: 2, 16>, scalar_prefetch = 0 : i64, scratch_operands = 7 : i64, tpu.core_type = #tpu.core_type<sc_vector_subcore>, window_params = [{transform_indices = #map}, {transform_indices = #map1}, {transform_indices = #map1}, {transform_indices = #map}]} {
    %mul3A = arith.constant 2 : i32
    %mul3A_0 = arith.muli %arg1, %mul3A : i32
    %add3A = arith.addi %mul3A_0, %arg0 : i32
    %mul3A_1 = arith.constant 2 : i32
    %mul3A_2 = arith.muli %add3A, %mul3A_1 : i32
    %dma_start3A = arith.constant 0 : i32
    %dma_start3A_3 = tpu.memref_slice %arg2[%mul3A_2, %dma_start3A] : memref<64x32768xf32, #tpu.memory_space<hbm>> -> memref<1x32768xf32, #tpu.memory_space<hbm>>
    %dma_start3A_4 = tpu.memref_squeeze %dma_start3A_3 : memref<1x32768xf32, #tpu.memory_space<hbm>> -> memref<32768xf32, #tpu.memory_space<hbm>>
    %dma_start3A_5 = arith.constant 0 : i32
    %dma_start3A_6 = tpu.memref_slice %arg2[%mul3A_2, %dma_start3A_5] : memref<64x32768xf32, #tpu.memory_space<hbm>> -> memref<1x32768xf32, #tpu.memory_space<hbm>>
    %dma_start3A_7 = tpu.memref_squeeze %dma_start3A_6 : memref<1x32768xf32, #tpu.memory_space<hbm>> -> memref<32768xf32, #tpu.memory_space<hbm>>
    tpu.enqueue_dma source(%dma_start3A_7 : memref<32768xf32, #tpu.memory_space<hbm>>) target(%arg6 : memref<32768xf32, #tpu.memory_space<vmem>>) target_semaphore(%arg11 : memref<!tpu.dma_semaphore, #tpu.memory_space<semaphore_mem>>)
    %add3A_8 = arith.constant 1 : i32
    %add3A_9 = arith.addi %mul3A_2, %add3A_8 : i32
    %dma_start3A_10 = arith.constant 0 : i32
    %dma_start3A_11 = tpu.memref_slice %arg2[%add3A_9, %dma_start3A_10] : memref<64x32768xf32, #tpu.memory_space<hbm>> -> memref<1x32768xf32, #tpu.memory_space<hbm>>
    %dma_start3A_12 = tpu.memref_squeeze %dma_start3A_11 : memref<1x32768xf32, #tpu.memory_space<hbm>> -> memref<32768xf32, #tpu.memory_space<hbm>>
    %dma_start3A_13 = arith.constant 0 : i32
    %dma_start3A_14 = tpu.memref_slice %arg2[%add3A_9, %dma_start3A_13] : memref<64x32768xf32, #tpu.memory_space<hbm>> -> memref<1x32768xf32, #tpu.memory_space<hbm>>
    %dma_start3A_15 = tpu.memref_squeeze %dma_start3A_14 : memref<1x32768xf32, #tpu.memory_space<hbm>> -> memref<32768xf32, #tpu.memory_space<hbm>>
    tpu.enqueue_dma source(%dma_start3A_15 : memref<32768xf32, #tpu.memory_space<hbm>>) target(%arg7 : memref<32768xf32, #tpu.memory_space<vmem>>) target_semaphore(%arg12 : memref<!tpu.dma_semaphore, #tpu.memory_space<semaphore_mem>>)
    "tpu.region"() ({
      %run_scoped3A = tpu.sem_alloc : memref<!tpu.dma_semaphore, #tpu.memory_space<semaphore_mem>>
      tpu.enqueue_dma source(%arg3 : memref<64xi32, #tpu.memory_space<hbm>>) target(%arg8 : memref<64xi32, #tpu.memory_space<vmem>>) target_semaphore(%run_scoped3A : memref<!tpu.dma_semaphore, #tpu.memory_space<semaphore_mem>>)
      tpu.wait_dma2 semaphore(%run_scoped3A : memref<!tpu.dma_semaphore, #tpu.memory_space<semaphore_mem>>) src(%arg3 : memref<64xi32, #tpu.memory_space<hbm>>) dst(%arg8 : memref<64xi32, #tpu.memory_space<vmem>>)
      tpu.yield
    }) : () -> ()
    "tpu.region"() ({
      %run_scoped3A = tpu.sem_alloc : memref<!tpu.dma_semaphore, #tpu.memory_space<semaphore_mem>>
      tpu.enqueue_dma source(%arg4 : memref<64xf32, #tpu.memory_space<hbm>>) target(%arg9 : memref<64xf32, #tpu.memory_space<vmem>>) target_semaphore(%run_scoped3A : memref<!tpu.dma_semaphore, #tpu.memory_space<semaphore_mem>>)
      tpu.wait_dma2 semaphore(%run_scoped3A : memref<!tpu.dma_semaphore, #tpu.memory_space<semaphore_mem>>) src(%arg4 : memref<64xf32, #tpu.memory_space<hbm>>) dst(%arg9 : memref<64xf32, #tpu.memory_space<vmem>>)
      tpu.yield
    }) : () -> ()
    %iota3A = tpu.iota {dimensions = array<i32: 0>} : vector<16xi32>
    %dma_wait3A = arith.constant 0 : i32
    %dma_wait3A_16 = tpu.memref_slice %arg2[%mul3A_2, %dma_wait3A] : memref<64x32768xf32, #tpu.memory_space<hbm>> -> memref<1x32768xf32, #tpu.memory_space<hbm>>
    %dma_wait3A_17 = tpu.memref_squeeze %dma_wait3A_16 : memref<1x32768xf32, #tpu.memory_space<hbm>> -> memref<32768xf32, #tpu.memory_space<hbm>>
    %dma_wait3A_18 = arith.constant 0 : i32
    %dma_wait3A_19 = tpu.memref_slice %arg2[%mul3A_2, %dma_wait3A_18] : memref<64x32768xf32, #tpu.memory_space<hbm>> -> memref<1x32768xf32, #tpu.memory_space<hbm>>
    %dma_wait3A_20 = tpu.memref_squeeze %dma_wait3A_19 : memref<1x32768xf32, #tpu.memory_space<hbm>> -> memref<32768xf32, #tpu.memory_space<hbm>>
    tpu.wait_dma2 semaphore(%arg11 : memref<!tpu.dma_semaphore, #tpu.memory_space<semaphore_mem>>) src(%dma_wait3A_20 : memref<32768xf32, #tpu.memory_space<hbm>>) dst(%arg6 : memref<32768xf32, #tpu.memory_space<vmem>>)
    %broadcast_in_dim3A = vector.broadcast %mul3A_2 : i32 to vector<16xi32>
    %gather3A = tpu.vector_load_idx %arg8[%broadcast_in_dim3A] : memref<64xi32, #tpu.memory_space<vmem>>[vector<16xi32>], vector<16xi32>,
    %gather3A_21 = tpu.vector_load_idx %arg9[%broadcast_in_dim3A] : memref<64xf32, #tpu.memory_space<vmem>>[vector<16xi32>], vector<16xf32>,
    %broadcast_in_dim3A_22 = arith.constant 0xFF800000 : f32
    %broadcast_in_dim3A_23 = vector.broadcast %broadcast_in_dim3A_22 : f32 to vector<16xf32>
    %broadcast_in_dim3A_24 = arith.constant 0xFF800000 : f32
    %broadcast_in_dim3A_25 = vector.broadcast %broadcast_in_dim3A_24 : f32 to vector<16xf32>
    %broadcast_in_dim3A_26 = arith.constant 0xFF800000 : f32
    %broadcast_in_dim3A_27 = vector.broadcast %broadcast_in_dim3A_26 : f32 to vector<16xf32>
    %broadcast_in_dim3A_28 = arith.constant 0xFF800000 : f32
    %broadcast_in_dim3A_29 = vector.broadcast %broadcast_in_dim3A_28 : f32 to vector<16xf32>
    %broadcast_in_dim3A_30 = arith.constant 0xFF800000 : f32
    %broadcast_in_dim3A_31 = vector.broadcast %broadcast_in_dim3A_30 : f32 to vector<16xf32>
    %broadcast_in_dim3A_32 = arith.constant 0xFF800000 : f32
    %broadcast_in_dim3A_33 = vector.broadcast %broadcast_in_dim3A_32 : f32 to vector<16xf32>
    %broadcast_in_dim3A_34 = arith.constant 0xFF800000 : f32
    %broadcast_in_dim3A_35 = vector.broadcast %broadcast_in_dim3A_34 : f32 to vector<16xf32>
    %broadcast_in_dim3A_36 = arith.constant 0xFF800000 : f32
    %broadcast_in_dim3A_37 = vector.broadcast %broadcast_in_dim3A_36 : f32 to vector<16xf32>
    %scan3A = arith.constant 0 : i32
    %scan3A_38 = arith.constant 256 : i32
    %scan3A_39 = arith.addi %scan3A, %scan3A_38 : i32
    %scan3A_40 = arith.constant 1 : i32
    %scan3A_41:8 = scf.for %scan3A_262 = %scan3A to %scan3A_39 step %scan3A_40 iter_args(%scan3A_263 = %broadcast_in_dim3A_23, %scan3A_264 = %broadcast_in_dim3A_25, %scan3A_265 = %broadcast_in_dim3A_27, %scan3A_266 = %broadcast_in_dim3A_29, %scan3A_267 = %broadcast_in_dim3A_31, %scan3A_268 = %broadcast_in_dim3A_33, %scan3A_269 = %broadcast_in_dim3A_35, %scan3A_270 = %broadcast_in_dim3A_37) -> (vector<16xf32>, vector<16xf32>, vector<16xf32>, vector<16xf32>, vector<16xf32>, vector<16xf32>, vector<16xf32>, vector<16xf32>)  : i32 {
      %mul3A_271 = arith.constant 128 : i32
      %mul3A_272 = arith.muli %scan3A_262, %mul3A_271 : i32
      %add3A_273 = arith.constant 0 : i32
      %add3A_274 = arith.addi %mul3A_272, %add3A_273 : i32
      %get3A = arith.index_cast %add3A_274 : i32 to index
      %get3A_275 = tpu.vector_load %arg6[%get3A] {strides = array<i32>} : memref<32768xf32, #tpu.memory_space<vmem>>, vector<16xf32>,
      %add3A_276 = vector.broadcast %add3A_274 : i32 to vector<16xi32>
      %add3A_277 = arith.addi %iota3A, %add3A_276 : vector<16xi32>
      %lt3A = arith.cmpi slt, %add3A_277, %gather3A : vector<16xi32>
      %jit3A_278 = arith.constant 0xFF800000 : f32
      %broadcast_in_dim3A_279 = vector.broadcast %jit3A_278 : f32 to vector<16xf32>
      %select_n3A_280 = arith.select %lt3A, %get3A_275, %broadcast_in_dim3A_279 : vector<16xi1>, vector<16xf32>
      %sort3A_281 = arith.constant dense<true> : vector<16xi1>
      %sort3A_282, %sort3A_283, %sort3A_284 = tpu.sort %select_n3A_280, %select_n3A_280 masked %sort3A_281 : (vector<16xf32>, vector<16xf32>, vector<16xi1>) -> (vector<16xi1>, vector<16xf32>, vector<16xf32>)
      %rev3A_285 = arith.constant 15 : i32
      %rev3A_286 = vector.broadcast %rev3A_285 : i32 to vector<16xi32>
      %rev3A_287 = tpu.iota {dimensions = array<i32: 0>} : vector<16xi32>
      %rev3A_288 = arith.subi %rev3A_286, %rev3A_287 : vector<16xi32>
      %rev3A_289 = tpu.dynamic_gather %sort3A_283[%rev3A_288] in [0] : vector<16xf32>, vector<16xi32> -> vector<16xf32>
      %max3A_290 = arith.maximumf %scan3A_263, %rev3A_289 : vector<16xf32>
      %sort3A_291 = arith.constant dense<true> : vector<16xi1>
      %sort3A_292, %sort3A_293, %sort3A_294 = tpu.sort %max3A_290, %max3A_290 masked %sort3A_291 : (vector<16xf32>, vector<16xf32>, vector<16xi1>) -> (vector<16xi1>, vector<16xf32>, vector<16xf32>)
      %add3A_295 = arith.constant 16 : i32
      %add3A_296 = arith.addi %mul3A_272, %add3A_295 : i32
      %get3A_297 = arith.index_cast %add3A_296 : i32 to index
      %get3A_298 = tpu.vector_load %arg6[%get3A_297] {strides = array<i32>} : memref<32768xf32, #tpu.memory_space<vmem>>, vector<16xf32>,
      %add3A_299 = vector.broadcast %add3A_296 : i32 to vector<16xi32>
      %add3A_300 = arith.addi %iota3A, %add3A_299 : vector<16xi32>
      %lt3A_301 = arith.cmpi slt, %add3A_300, %gather3A : vector<16xi32>
      %jit3A_302 = arith.constant 0xFF800000 : f32
      %broadcast_in_dim3A_303 = vector.broadcast %jit3A_302 : f32 to vector<16xf32>
      %select_n3A_304 = arith.select %lt3A_301, %get3A_298, %broadcast_in_dim3A_303 : vector<16xi1>, vector<16xf32>
      %sort3A_305 = arith.constant dense<true> : vector<16xi1>
      %sort3A_306, %sort3A_307, %sort3A_308 = tpu.sort %select_n3A_304, %select_n3A_304 masked %sort3A_305 : (vector<16xf32>, vector<16xf32>, vector<16xi1>) -> (vector<16xi1>, vector<16xf32>, vector<16xf32>)
      %rev3A_309 = arith.constant 15 : i32
      %rev3A_310 = vector.broadcast %rev3A_309 : i32 to vector<16xi32>
      %rev3A_311 = tpu.iota {dimensions = array<i32: 0>} : vector<16xi32>
      %rev3A_312 = arith.subi %rev3A_310, %rev3A_311 : vector<16xi32>
      %rev3A_313 = tpu.dynamic_gather %sort3A_307[%rev3A_312] in [0] : vector<16xf32>, vector<16xi32> -> vector<16xf32>
      %max3A_314 = arith.maximumf %scan3A_264, %rev3A_313 : vector<16xf32>
      %sort3A_315 = arith.constant dense<true> : vector<16xi1>
      %sort3A_316, %sort3A_317, %sort3A_318 = tpu.sort %max3A_314, %max3A_314 masked %sort3A_315 : (vector<16xf32>, vector<16xf32>, vector<16xi1>) -> (vector<16xi1>, vector<16xf32>, vector<16xf32>)
      %add3A_319 = arith.constant 32 : i32
      %add3A_320 = arith.addi %mul3A_272, %add3A_319 : i32
      %get3A_321 = arith.index_cast %add3A_320 : i32 to index
      %get3A_322 = tpu.vector_load %arg6[%get3A_321] {strides = array<i32>} : memref<32768xf32, #tpu.memory_space<vmem>>, vector<16xf32>,
      %add3A_323 = vector.broadcast %add3A_320 : i32 to vector<16xi32>
      %add3A_324 = arith.addi %iota3A, %add3A_323 : vector<16xi32>
      %lt3A_325 = arith.cmpi slt, %add3A_324, %gather3A : vector<16xi32>
      %jit3A_326 = arith.constant 0xFF800000 : f32
      %broadcast_in_dim3A_327 = vector.broadcast %jit3A_326 : f32 to vector<16xf32>
      %select_n3A_328 = arith.select %lt3A_325, %get3A_322, %broadcast_in_dim3A_327 : vector<16xi1>, vector<16xf32>
      %sort3A_329 = arith.constant dense<true> : vector<16xi1>
      %sort3A_330, %sort3A_331, %sort3A_332 = tpu.sort %select_n3A_328, %select_n3A_328 masked %sort3A_329 : (vector<16xf32>, vector<16xf32>, vector<16xi1>) -> (vector<16xi1>, vector<16xf32>, vector<16xf32>)
      %rev3A_333 = arith.constant 15 : i32
      %rev3A_334 = vector.broadcast %rev3A_333 : i32 to vector<16xi32>
      %rev3A_335 = tpu.iota {dimensions = array<i32: 0>} : vector<16xi32>
      %rev3A_336 = arith.subi %rev3A_334, %rev3A_335 : vector<16xi32>
      %rev3A_337 = tpu.dynamic_gather %sort3A_331[%rev3A_336] in [0] : vector<16xf32>, vector<16xi32> -> vector<16xf32>
      %max3A_338 = arith.maximumf %scan3A_265, %rev3A_337 : vector<16xf32>
      %sort3A_339 = arith.constant dense<true> : vector<16xi1>
      %sort3A_340, %sort3A_341, %sort3A_342 = tpu.sort %max3A_338, %max3A_338 masked %sort3A_339 : (vector<16xf32>, vector<16xf32>, vector<16xi1>) -> (vector<16xi1>, vector<16xf32>, vector<16xf32>)
      %add3A_343 = arith.constant 48 : i32
      %add3A_344 = arith.addi %mul3A_272, %add3A_343 : i32
      %get3A_345 = arith.index_cast %add3A_344 : i32 to index
      %get3A_346 = tpu.vector_load %arg6[%get3A_345] {strides = array<i32>} : memref<32768xf32, #tpu.memory_space<vmem>>, vector<16xf32>,
      %add3A_347 = vector.broadcast %add3A_344 : i32 to vector<16xi32>
      %add3A_348 = arith.addi %iota3A, %add3A_347 : vector<16xi32>
      %lt3A_349 = arith.cmpi slt, %add3A_348, %gather3A : vector<16xi32>
      %jit3A_350 = arith.constant 0xFF800000 : f32
      %broadcast_in_dim3A_351 = vector.broadcast %jit3A_350 : f32 to vector<16xf32>
      %select_n3A_352 = arith.select %lt3A_349, %get3A_346, %broadcast_in_dim3A_351 : vector<16xi1>, vector<16xf32>
      %sort3A_353 = arith.constant dense<true> : vector<16xi1>
      %sort3A_354, %sort3A_355, %sort3A_356 = tpu.sort %select_n3A_352, %select_n3A_352 masked %sort3A_353 : (vector<16xf32>, vector<16xf32>, vector<16xi1>) -> (vector<16xi1>, vector<16xf32>, vector<16xf32>)
      %rev3A_357 = arith.constant 15 : i32
      %rev3A_358 = vector.broadcast %rev3A_357 : i32 to vector<16xi32>
      %rev3A_359 = tpu.iota {dimensions = array<i32: 0>} : vector<16xi32>
      %rev3A_360 = arith.subi %rev3A_358, %rev3A_359 : vector<16xi32>
      %rev3A_361 = tpu.dynamic_gather %sort3A_355[%rev3A_360] in [0] : vector<16xf32>, vector<16xi32> -> vector<16xf32>
      %max3A_362 = arith.maximumf %scan3A_266, %rev3A_361 : vector<16xf32>
      %sort3A_363 = arith.constant dense<true> : vector<16xi1>
      %sort3A_364, %sort3A_365, %sort3A_366 = tpu.sort %max3A_362, %max3A_362 masked %sort3A_363 : (vector<16xf32>, vector<16xf32>, vector<16xi1>) -> (vector<16xi1>, vector<16xf32>, vector<16xf32>)
      %add3A_367 = arith.constant 64 : i32
      %add3A_368 = arith.addi %mul3A_272, %add3A_367 : i32
      %get3A_369 = arith.index_cast %add3A_368 : i32 to index
      %get3A_370 = tpu.vector_load %arg6[%get3A_369] {strides = array<i32>} : memref<32768xf32, #tpu.memory_space<vmem>>, vector<16xf32>,
      %add3A_371 = vector.broadcast %add3A_368 : i32 to vector<16xi32>
      %add3A_372 = arith.addi %iota3A, %add3A_371 : vector<16xi32>
      %lt3A_373 = arith.cmpi slt, %add3A_372, %gather3A : vector<16xi32>
      %jit3A_374 = arith.constant 0xFF800000 : f32
      %broadcast_in_dim3A_375 = vector.broadcast %jit3A_374 : f32 to vector<16xf32>
      %select_n3A_376 = arith.select %lt3A_373, %get3A_370, %broadcast_in_dim3A_375 : vector<16xi1>, vector<16xf32>
      %sort3A_377 = arith.constant dense<true> : vector<16xi1>
      %sort3A_378, %sort3A_379, %sort3A_380 = tpu.sort %select_n3A_376, %select_n3A_376 masked %sort3A_377 : (vector<16xf32>, vector<16xf32>, vector<16xi1>) -> (vector<16xi1>, vector<16xf32>, vector<16xf32>)
      %rev3A_381 = arith.constant 15 : i32
      %rev3A_382 = vector.broadcast %rev3A_381 : i32 to vector<16xi32>
      %rev3A_383 = tpu.iota {dimensions = array<i32: 0>} : vector<16xi32>
      %rev3A_384 = arith.subi %rev3A_382, %rev3A_383 : vector<16xi32>
      %rev3A_385 = tpu.dynamic_gather %sort3A_379[%rev3A_384] in [0] : vector<16xf32>, vector<16xi32> -> vector<16xf32>
      %max3A_386 = arith.maximumf %scan3A_267, %rev3A_385 : vector<16xf32>
      %sort3A_387 = arith.constant dense<true> : vector<16xi1>
      %sort3A_388, %sort3A_389, %sort3A_390 = tpu.sort %max3A_386, %max3A_386 masked %sort3A_387 : (vector<16xf32>, vector<16xf32>, vector<16xi1>) -> (vector<16xi1>, vector<16xf32>, vector<16xf32>)
      %add3A_391 = arith.constant 80 : i32
      %add3A_392 = arith.addi %mul3A_272, %add3A_391 : i32
      %get3A_393 = arith.index_cast %add3A_392 : i32 to index
      %get3A_394 = tpu.vector_load %arg6[%get3A_393] {strides = array<i32>} : memref<32768xf32, #tpu.memory_space<vmem>>, vector<16xf32>,
      %add3A_395 = vector.broadcast %add3A_392 : i32 to vector<16xi32>
      %add3A_396 = arith.addi %iota3A, %add3A_395 : vector<16xi32>
      %lt3A_397 = arith.cmpi slt, %add3A_396, %gather3A : vector<16xi32>
      %jit3A_398 = arith.constant 0xFF800000 : f32
      %broadcast_in_dim3A_399 = vector.broadcast %jit3A_398 : f32 to vector<16xf32>
      %select_n3A_400 = arith.select %lt3A_397, %get3A_394, %broadcast_in_dim3A_399 : vector<16xi1>, vector<16xf32>
      %sort3A_401 = arith.constant dense<true> : vector<16xi1>
      %sort3A_402, %sort3A_403, %sort3A_404 = tpu.sort %select_n3A_400, %select_n3A_400 masked %sort3A_401 : (vector<16xf32>, vector<16xf32>, vector<16xi1>) -> (vector<16xi1>, vector<16xf32>, vector<16xf32>)
      %rev3A_405 = arith.constant 15 : i32
      %rev3A_406 = vector.broadcast %rev3A_405 : i32 to vector<16xi32>
      %rev3A_407 = tpu.iota {dimensions = array<i32: 0>} : vector<16xi32>
      %rev3A_408 = arith.subi %rev3A_406, %rev3A_407 : vector<16xi32>
      %rev3A_409 = tpu.dynamic_gather %sort3A_403[%rev3A_408] in [0] : vector<16xf32>, vector<16xi32> -> vector<16xf32>
      %max3A_410 = arith.maximumf %scan3A_268, %rev3A_409 : vector<16xf32>
      %sort3A_411 = arith.constant dense<true> : vector<16xi1>
      %sort3A_412, %sort3A_413, %sort3A_414 = tpu.sort %max3A_410, %max3A_410 masked %sort3A_411 : (vector<16xf32>, vector<16xf32>, vector<16xi1>) -> (vector<16xi1>, vector<16xf32>, vector<16xf32>)
      %add3A_415 = arith.constant 96 : i32
      %add3A_416 = arith.addi %mul3A_272, %add3A_415 : i32
      %get3A_417 = arith.index_cast %add3A_416 : i32 to index
      %get3A_418 = tpu.vector_load %arg6[%get3A_417] {strides = array<i32>} : memref<32768xf32, #tpu.memory_space<vmem>>, vector<16xf32>,
      %add3A_419 = vector.broadcast %add3A_416 : i32 to vector<16xi32>
      %add3A_420 = arith.addi %iota3A, %add3A_419 : vector<16xi32>
      %lt3A_421 = arith.cmpi slt, %add3A_420, %gather3A : vector<16xi32>
      %jit3A_422 = arith.constant 0xFF800000 : f32
      %broadcast_in_dim3A_423 = vector.broadcast %jit3A_422 : f32 to vector<16xf32>
      %select_n3A_424 = arith.select %lt3A_421, %get3A_418, %broadcast_in_dim3A_423 : vector<16xi1>, vector<16xf32>
      %sort3A_425 = arith.constant dense<true> : vector<16xi1>
      %sort3A_426, %sort3A_427, %sort3A_428 = tpu.sort %select_n3A_424, %select_n3A_424 masked %sort3A_425 : (vector<16xf32>, vector<16xf32>, vector<16xi1>) -> (vector<16xi1>, vector<16xf32>, vector<16xf32>)
      %rev3A_429 = arith.constant 15 : i32
      %rev3A_430 = vector.broadcast %rev3A_429 : i32 to vector<16xi32>
      %rev3A_431 = tpu.iota {dimensions = array<i32: 0>} : vector<16xi32>
      %rev3A_432 = arith.subi %rev3A_430, %rev3A_431 : vector<16xi32>
      %rev3A_433 = tpu.dynamic_gather %sort3A_427[%rev3A_432] in [0] : vector<16xf32>, vector<16xi32> -> vector<16xf32>
      %max3A_434 = arith.maximumf %scan3A_269, %rev3A_433 : vector<16xf32>
      %sort3A_435 = arith.constant dense<true> : vector<16xi1>
      %sort3A_436, %sort3A_437, %sort3A_438 = tpu.sort %max3A_434, %max3A_434 masked %sort3A_435 : (vector<16xf32>, vector<16xf32>, vector<16xi1>) -> (vector<16xi1>, vector<16xf32>, vector<16xf32>)
      %add3A_439 = arith.constant 112 : i32
      %add3A_440 = arith.addi %mul3A_272, %add3A_439 : i32
      %get3A_441 = arith.index_cast %add3A_440 : i32 to index
      %get3A_442 = tpu.vector_load %arg6[%get3A_441] {strides = array<i32>} : memref<32768xf32, #tpu.memory_space<vmem>>, vector<16xf32>,
      %add3A_443 = vector.broadcast %add3A_440 : i32 to vector<16xi32>
      %add3A_444 = arith.addi %iota3A, %add3A_443 : vector<16xi32>
      %lt3A_445 = arith.cmpi slt, %add3A_444, %gather3A : vector<16xi32>
      %jit3A_446 = arith.constant 0xFF800000 : f32
      %broadcast_in_dim3A_447 = vector.broadcast %jit3A_446 : f32 to vector<16xf32>
      %select_n3A_448 = arith.select %lt3A_445, %get3A_442, %broadcast_in_dim3A_447 : vector<16xi1>, vector<16xf32>
      %sort3A_449 = arith.constant dense<true> : vector<16xi1>
      %sort3A_450, %sort3A_451, %sort3A_452 = tpu.sort %select_n3A_448, %select_n3A_448 masked %sort3A_449 : (vector<16xf32>, vector<16xf32>, vector<16xi1>) -> (vector<16xi1>, vector<16xf32>, vector<16xf32>)
      %rev3A_453 = arith.constant 15 : i32
      %rev3A_454 = vector.broadcast %rev3A_453 : i32 to vector<16xi32>
      %rev3A_455 = tpu.iota {dimensions = array<i32: 0>} : vector<16xi32>
      %rev3A_456 = arith.subi %rev3A_454, %rev3A_455 : vector<16xi32>
      %rev3A_457 = tpu.dynamic_gather %sort3A_451[%rev3A_456] in [0] : vector<16xf32>, vector<16xi32> -> vector<16xf32>
      %max3A_458 = arith.maximumf %scan3A_270, %rev3A_457 : vector<16xf32>
      %sort3A_459 = arith.constant dense<true> : vector<16xi1>
      %sort3A_460, %sort3A_461, %sort3A_462 = tpu.sort %max3A_458, %max3A_458 masked %sort3A_459 : (vector<16xf32>, vector<16xf32>, vector<16xi1>) -> (vector<16xi1>, vector<16xf32>, vector<16xf32>)
      scf.yield %sort3A_293, %sort3A_317, %sort3A_341, %sort3A_365, %sort3A_389, %sort3A_413, %sort3A_437, %sort3A_461 : vector<16xf32>, vector<16xf32>, vector<16xf32>, vector<16xf32>, vector<16xf32>, vector<16xf32>, vector<16xf32>, vector<16xf32>
    }
    %scan3A_42 = arith.constant 256 : i32
    %rev3A = arith.constant 15 : i32
    %rev3A_43 = vector.broadcast %rev3A : i32 to vector<16xi32>
    %rev3A_44 = tpu.iota {dimensions = array<i32: 0>} : vector<16xi32>
    %rev3A_45 = arith.subi %rev3A_43, %rev3A_44 : vector<16xi32>
    %rev3A_46 = tpu.dynamic_gather %scan3A_41#1[%rev3A_45] in [0] : vector<16xf32>, vector<16xi32> -> vector<16xf32>
    %max3A = arith.maximumf %scan3A_41#0, %rev3A_46 : vector<16xf32>
    %sort3A = arith.constant dense<true> : vector<16xi1>
    %sort3A_47, %sort3A_48, %sort3A_49 = tpu.sort %max3A, %max3A masked %sort3A : (vector<16xf32>, vector<16xf32>, vector<16xi1>) -> (vector<16xi1>, vector<16xf32>, vector<16xf32>)
    %rev3A_50 = arith.constant 15 : i32
    %rev3A_51 = vector.broadcast %rev3A_50 : i32 to vector<16xi32>
    %rev3A_52 = tpu.iota {dimensions = array<i32: 0>} : vector<16xi32>
    %rev3A_53 = arith.subi %rev3A_51, %rev3A_52 : vector<16xi32>
    %rev3A_54 = tpu.dynamic_gather %scan3A_41#3[%rev3A_53] in [0] : vector<16xf32>, vector<16xi32> -> vector<16xf32>
    %max3A_55 = arith.maximumf %scan3A_41#2, %rev3A_54 : vector<16xf32>
    %sort3A_56 = arith.constant dense<true> : vector<16xi1>
    %sort3A_57, %sort3A_58, %sort3A_59 = tpu.sort %max3A_55, %max3A_55 masked %sort3A_56 : (vector<16xf32>, vector<16xf32>, vector<16xi1>) -> (vector<16xi1>, vector<16xf32>, vector<16xf32>)
    %rev3A_60 = arith.constant 15 : i32
    %rev3A_61 = vector.broadcast %rev3A_60 : i32 to vector<16xi32>
    %rev3A_62 = tpu.iota {dimensions = array<i32: 0>} : vector<16xi32>
    %rev3A_63 = arith.subi %rev3A_61, %rev3A_62 : vector<16xi32>
    %rev3A_64 = tpu.dynamic_gather %scan3A_41#5[%rev3A_63] in [0] : vector<16xf32>, vector<16xi32> -> vector<16xf32>
    %max3A_65 = arith.maximumf %scan3A_41#4, %rev3A_64 : vector<16xf32>
    %sort3A_66 = arith.constant dense<true> : vector<16xi1>
    %sort3A_67, %sort3A_68, %sort3A_69 = tpu.sort %max3A_65, %max3A_65 masked %sort3A_66 : (vector<16xf32>, vector<16xf32>, vector<16xi1>) -> (vector<16xi1>, vector<16xf32>, vector<16xf32>)
    %rev3A_70 = arith.constant 15 : i32
    %rev3A_71 = vector.broadcast %rev3A_70 : i32 to vector<16xi32>
    %rev3A_72 = tpu.iota {dimensions = array<i32: 0>} : vector<16xi32>
    %rev3A_73 = arith.subi %rev3A_71, %rev3A_72 : vector<16xi32>
    %rev3A_74 = tpu.dynamic_gather %scan3A_41#7[%rev3A_73] in [0] : vector<16xf32>, vector<16xi32> -> vector<16xf32>
    %max3A_75 = arith.maximumf %scan3A_41#6, %rev3A_74 : vector<16xf32>
    %sort3A_76 = arith.constant dense<true> : vector<16xi1>
    %sort3A_77, %sort3A_78, %sort3A_79 = tpu.sort %max3A_75, %max3A_75 masked %sort3A_76 : (vector<16xf32>, vector<16xf32>, vector<16xi1>) -> (vector<16xi1>, vector<16xf32>, vector<16xf32>)
    %rev3A_80 = arith.constant 15 : i32
    %rev3A_81 = vector.broadcast %rev3A_80 : i32 to vector<16xi32>
    %rev3A_82 = tpu.iota {dimensions = array<i32: 0>} : vector<16xi32>
    %rev3A_83 = arith.subi %rev3A_81, %rev3A_82 : vector<16xi32>
    %rev3A_84 = tpu.dynamic_gather %sort3A_58[%rev3A_83] in [0] : vector<16xf32>, vector<16xi32> -> vector<16xf32>
    %max3A_85 = arith.maximumf %sort3A_48, %rev3A_84 : vector<16xf32>
    %sort3A_86 = arith.constant dense<true> : vector<16xi1>
    %sort3A_87, %sort3A_88, %sort3A_89 = tpu.sort %max3A_85, %max3A_85 masked %sort3A_86 : (vector<16xf32>, vector<16xf32>, vector<16xi1>) -> (vector<16xi1>, vector<16xf32>, vector<16xf32>)
    %rev3A_90 = arith.constant 15 : i32
    %rev3A_91 = vector.broadcast %rev3A_90 : i32 to vector<16xi32>
    %rev3A_92 = tpu.iota {dimensions = array<i32: 0>} : vector<16xi32>
    %rev3A_93 = arith.subi %rev3A_91, %rev3A_92 : vector<16xi32>
    %rev3A_94 = tpu.dynamic_gather %sort3A_78[%rev3A_93] in [0] : vector<16xf32>, vector<16xi32> -> vector<16xf32>
    %max3A_95 = arith.maximumf %sort3A_68, %rev3A_94 : vector<16xf32>
    %sort3A_96 = arith.constant dense<true> : vector<16xi1>
    %sort3A_97, %sort3A_98, %sort3A_99 = tpu.sort %max3A_95, %max3A_95 masked %sort3A_96 : (vector<16xf32>, vector<16xf32>, vector<16xi1>) -> (vector<16xi1>, vector<16xf32>, vector<16xf32>)
    %rev3A_100 = arith.constant 15 : i32
    %rev3A_101 = vector.broadcast %rev3A_100 : i32 to vector<16xi32>
    %rev3A_102 = tpu.iota {dimensions = array<i32: 0>} : vector<16xi32>
    %rev3A_103 = arith.subi %rev3A_101, %rev3A_102 : vector<16xi32>
    %rev3A_104 = tpu.dynamic_gather %sort3A_98[%rev3A_103] in [0] : vector<16xf32>, vector<16xi32> -> vector<16xf32>
    %max3A_105 = arith.maximumf %sort3A_88, %rev3A_104 : vector<16xf32>
    %sort3A_106 = arith.constant dense<true> : vector<16xi1>
    %sort3A_107, %sort3A_108, %sort3A_109 = tpu.sort %max3A_105, %max3A_105 masked %sort3A_106 : (vector<16xf32>, vector<16xf32>, vector<16xi1>) -> (vector<16xi1>, vector<16xf32>, vector<16xf32>)
    %reduce_max3A = arith.constant true
    %reduce_max3A_110 = vector.broadcast %reduce_max3A : i1 to vector<16xi1>
    %reduce_max3A_111 = tpu.scan <max>, %sort3A_108 masked %reduce_max3A_110 : vector<16xf32>, vector<16xi1> -> vector<16xf32>
    %reduce_max3A_112 = vector.extract %reduce_max3A_111[15] : f32 from vector<16xf32>
    %ge3A = arith.constant 8 : i32
    %ge3A_113 = vector.broadcast %ge3A : i32 to vector<16xi32>
    %ge3A_114 = arith.cmpi sge, %iota3A, %ge3A_113 : vector<16xi32>
    %jit3A = arith.constant 0.000000e+00 : f32
    %broadcast_in_dim3A_115 = vector.broadcast %jit3A : f32 to vector<16xf32>
    %select_n3A = arith.select %ge3A_114, %sort3A_108, %broadcast_in_dim3A_115 : vector<16xi1>, vector<16xf32>
    %reduce_sum3A = arith.constant true
    %reduce_sum3A_116 = vector.broadcast %reduce_sum3A : i1 to vector<16xi1>
    %reduce_sum3A_117 = tpu.scan <sum>, %select_n3A masked %reduce_sum3A_116 : vector<16xf32>, vector<16xi1> -> vector<16xf32>
    %reduce_sum3A_118 = vector.extract %reduce_sum3A_117[15] : f32 from vector<16xf32>
    %mul3A_119 = arith.constant 1.250000e-01 : f32
    %mul3A_120 = arith.mulf %reduce_sum3A_118, %mul3A_119 : f32
    %eq3A = arith.constant 0.000000e+00 : f32
    %eq3A_121 = vector.broadcast %eq3A : f32 to vector<16xf32>
    %eq3A_122 = arith.cmpf oeq, %gather3A_21, %eq3A_121 : vector<16xf32>
    %broadcast_in_dim3A_123 = vector.broadcast %reduce_max3A_112 : f32 to vector<16xf32>
    %broadcast_in_dim3A_124 = vector.broadcast %mul3A_120 : f32 to vector<16xf32>
    %select_n3A_125 = arith.select %eq3A_122, %broadcast_in_dim3A_123, %broadcast_in_dim3A_124 : vector<16xi1>, vector<16xf32>
    %dma_wait3A_126 = arith.constant 0 : i32
    %dma_wait3A_127 = tpu.memref_slice %arg2[%add3A_9, %dma_wait3A_126] : memref<64x32768xf32, #tpu.memory_space<hbm>> -> memref<1x32768xf32, #tpu.memory_space<hbm>>
    %dma_wait3A_128 = tpu.memref_squeeze %dma_wait3A_127 : memref<1x32768xf32, #tpu.memory_space<hbm>> -> memref<32768xf32, #tpu.memory_space<hbm>>
    %dma_wait3A_129 = arith.constant 0 : i32
    %dma_wait3A_130 = tpu.memref_slice %arg2[%add3A_9, %dma_wait3A_129] : memref<64x32768xf32, #tpu.memory_space<hbm>> -> memref<1x32768xf32, #tpu.memory_space<hbm>>
    %dma_wait3A_131 = tpu.memref_squeeze %dma_wait3A_130 : memref<1x32768xf32, #tpu.memory_space<hbm>> -> memref<32768xf32, #tpu.memory_space<hbm>>
    tpu.wait_dma2 semaphore(%arg12 : memref<!tpu.dma_semaphore, #tpu.memory_space<semaphore_mem>>) src(%dma_wait3A_131 : memref<32768xf32, #tpu.memory_space<hbm>>) dst(%arg7 : memref<32768xf32, #tpu.memory_space<vmem>>)
    %add3A_132 = arith.constant 1 : i32
    %add3A_133 = arith.addi %mul3A_2, %add3A_132 : i32
    %broadcast_in_dim3A_134 = vector.broadcast %add3A_133 : i32 to vector<16xi32>
    %gather3A_135 = tpu.vector_load_idx %arg8[%broadcast_in_dim3A_134] : memref<64xi32, #tpu.memory_space<vmem>>[vector<16xi32>], vector<16xi32>,
    %gather3A_136 = tpu.vector_load_idx %arg9[%broadcast_in_dim3A_134] : memref<64xf32, #tpu.memory_space<vmem>>[vector<16xi32>], vector<16xf32>,
    %broadcast_in_dim3A_137 = arith.constant 0xFF800000 : f32
    %broadcast_in_dim3A_138 = vector.broadcast %broadcast_in_dim3A_137 : f32 to vector<16xf32>
    %broadcast_in_dim3A_139 = arith.constant 0xFF800000 : f32
    %broadcast_in_dim3A_140 = vector.broadcast %broadcast_in_dim3A_139 : f32 to vector<16xf32>
    %broadcast_in_dim3A_141 = arith.constant 0xFF800000 : f32
    %broadcast_in_dim3A_142 = vector.broadcast %broadcast_in_dim3A_141 : f32 to vector<16xf32>
    %broadcast_in_dim3A_143 = arith.constant 0xFF800000 : f32
    %broadcast_in_dim3A_144 = vector.broadcast %broadcast_in_dim3A_143 : f32 to vector<16xf32>
    %broadcast_in_dim3A_145 = arith.constant 0xFF800000 : f32
    %broadcast_in_dim3A_146 = vector.broadcast %broadcast_in_dim3A_145 : f32 to vector<16xf32>
    %broadcast_in_dim3A_147 = arith.constant 0xFF800000 : f32
    %broadcast_in_dim3A_148 = vector.broadcast %broadcast_in_dim3A_147 : f32 to vector<16xf32>
    %broadcast_in_dim3A_149 = arith.constant 0xFF800000 : f32
    %broadcast_in_dim3A_150 = vector.broadcast %broadcast_in_dim3A_149 : f32 to vector<16xf32>
    %broadcast_in_dim3A_151 = arith.constant 0xFF800000 : f32
    %broadcast_in_dim3A_152 = vector.broadcast %broadcast_in_dim3A_151 : f32 to vector<16xf32>
    %scan3A_153 = arith.constant 0 : i32
    %scan3A_154 = arith.constant 256 : i32
    %scan3A_155 = arith.addi %scan3A_153, %scan3A_154 : i32
    %scan3A_156 = arith.constant 1 : i32
    %scan3A_157:8 = scf.for %scan3A_262 = %scan3A_153 to %scan3A_155 step %scan3A_156 iter_args(%scan3A_263 = %broadcast_in_dim3A_138, %scan3A_264 = %broadcast_in_dim3A_140, %scan3A_265 = %broadcast_in_dim3A_142, %scan3A_266 = %broadcast_in_dim3A_144, %scan3A_267 = %broadcast_in_dim3A_146, %scan3A_268 = %broadcast_in_dim3A_148, %scan3A_269 = %broadcast_in_dim3A_150, %scan3A_270 = %broadcast_in_dim3A_152) -> (vector<16xf32>, vector<16xf32>, vector<16xf32>, vector<16xf32>, vector<16xf32>, vector<16xf32>, vector<16xf32>, vector<16xf32>)  : i32 {
      %mul3A_271 = arith.constant 128 : i32
      %mul3A_272 = arith.muli %scan3A_262, %mul3A_271 : i32
      %add3A_273 = arith.constant 0 : i32
      %add3A_274 = arith.addi %mul3A_272, %add3A_273 : i32
      %get3A = arith.index_cast %add3A_274 : i32 to index
      %get3A_275 = tpu.vector_load %arg7[%get3A] {strides = array<i32>} : memref<32768xf32, #tpu.memory_space<vmem>>, vector<16xf32>,
      %add3A_276 = vector.broadcast %add3A_274 : i32 to vector<16xi32>
      %add3A_277 = arith.addi %iota3A, %add3A_276 : vector<16xi32>
      %lt3A = arith.cmpi slt, %add3A_277, %gather3A_135 : vector<16xi32>
      %jit3A_278 = arith.constant 0xFF800000 : f32
      %broadcast_in_dim3A_279 = vector.broadcast %jit3A_278 : f32 to vector<16xf32>
      %select_n3A_280 = arith.select %lt3A, %get3A_275, %broadcast_in_dim3A_279 : vector<16xi1>, vector<16xf32>
      %sort3A_281 = arith.constant dense<true> : vector<16xi1>
      %sort3A_282, %sort3A_283, %sort3A_284 = tpu.sort %select_n3A_280, %select_n3A_280 masked %sort3A_281 : (vector<16xf32>, vector<16xf32>, vector<16xi1>) -> (vector<16xi1>, vector<16xf32>, vector<16xf32>)
      %rev3A_285 = arith.constant 15 : i32
      %rev3A_286 = vector.broadcast %rev3A_285 : i32 to vector<16xi32>
      %rev3A_287 = tpu.iota {dimensions = array<i32: 0>} : vector<16xi32>
      %rev3A_288 = arith.subi %rev3A_286, %rev3A_287 : vector<16xi32>
      %rev3A_289 = tpu.dynamic_gather %sort3A_283[%rev3A_288] in [0] : vector<16xf32>, vector<16xi32> -> vector<16xf32>
      %max3A_290 = arith.maximumf %scan3A_263, %rev3A_289 : vector<16xf32>
      %sort3A_291 = arith.constant dense<true> : vector<16xi1>
      %sort3A_292, %sort3A_293, %sort3A_294 = tpu.sort %max3A_290, %max3A_290 masked %sort3A_291 : (vector<16xf32>, vector<16xf32>, vector<16xi1>) -> (vector<16xi1>, vector<16xf32>, vector<16xf32>)
      %add3A_295 = arith.constant 16 : i32
      %add3A_296 = arith.addi %mul3A_272, %add3A_295 : i32
      %get3A_297 = arith.index_cast %add3A_296 : i32 to index
      %get3A_298 = tpu.vector_load %arg7[%get3A_297] {strides = array<i32>} : memref<32768xf32, #tpu.memory_space<vmem>>, vector<16xf32>,
      %add3A_299 = vector.broadcast %add3A_296 : i32 to vector<16xi32>
      %add3A_300 = arith.addi %iota3A, %add3A_299 : vector<16xi32>
      %lt3A_301 = arith.cmpi slt, %add3A_300, %gather3A_135 : vector<16xi32>
      %jit3A_302 = arith.constant 0xFF800000 : f32
      %broadcast_in_dim3A_303 = vector.broadcast %jit3A_302 : f32 to vector<16xf32>
      %select_n3A_304 = arith.select %lt3A_301, %get3A_298, %broadcast_in_dim3A_303 : vector<16xi1>, vector<16xf32>
      %sort3A_305 = arith.constant dense<true> : vector<16xi1>
      %sort3A_306, %sort3A_307, %sort3A_308 = tpu.sort %select_n3A_304, %select_n3A_304 masked %sort3A_305 : (vector<16xf32>, vector<16xf32>, vector<16xi1>) -> (vector<16xi1>, vector<16xf32>, vector<16xf32>)
      %rev3A_309 = arith.constant 15 : i32
      %rev3A_310 = vector.broadcast %rev3A_309 : i32 to vector<16xi32>
      %rev3A_311 = tpu.iota {dimensions = array<i32: 0>} : vector<16xi32>
      %rev3A_312 = arith.subi %rev3A_310, %rev3A_311 : vector<16xi32>
      %rev3A_313 = tpu.dynamic_gather %sort3A_307[%rev3A_312] in [0] : vector<16xf32>, vector<16xi32> -> vector<16xf32>
      %max3A_314 = arith.maximumf %scan3A_264, %rev3A_313 : vector<16xf32>
      %sort3A_315 = arith.constant dense<true> : vector<16xi1>
      %sort3A_316, %sort3A_317, %sort3A_318 = tpu.sort %max3A_314, %max3A_314 masked %sort3A_315 : (vector<16xf32>, vector<16xf32>, vector<16xi1>) -> (vector<16xi1>, vector<16xf32>, vector<16xf32>)
      %add3A_319 = arith.constant 32 : i32
      %add3A_320 = arith.addi %mul3A_272, %add3A_319 : i32
      %get3A_321 = arith.index_cast %add3A_320 : i32 to index
      %get3A_322 = tpu.vector_load %arg7[%get3A_321] {strides = array<i32>} : memref<32768xf32, #tpu.memory_space<vmem>>, vector<16xf32>,
      %add3A_323 = vector.broadcast %add3A_320 : i32 to vector<16xi32>
      %add3A_324 = arith.addi %iota3A, %add3A_323 : vector<16xi32>
      %lt3A_325 = arith.cmpi slt, %add3A_324, %gather3A_135 : vector<16xi32>
      %jit3A_326 = arith.constant 0xFF800000 : f32
      %broadcast_in_dim3A_327 = vector.broadcast %jit3A_326 : f32 to vector<16xf32>
      %select_n3A_328 = arith.select %lt3A_325, %get3A_322, %broadcast_in_dim3A_327 : vector<16xi1>, vector<16xf32>
      %sort3A_329 = arith.constant dense<true> : vector<16xi1>
      %sort3A_330, %sort3A_331, %sort3A_332 = tpu.sort %select_n3A_328, %select_n3A_328 masked %sort3A_329 : (vector<16xf32>, vector<16xf32>, vector<16xi1>) -> (vector<16xi1>, vector<16xf32>, vector<16xf32>)
      %rev3A_333 = arith.constant 15 : i32
      %rev3A_334 = vector.broadcast %rev3A_333 : i32 to vector<16xi32>
      %rev3A_335 = tpu.iota {dimensions = array<i32: 0>} : vector<16xi32>
      %rev3A_336 = arith.subi %rev3A_334, %rev3A_335 : vector<16xi32>
      %rev3A_337 = tpu.dynamic_gather %sort3A_331[%rev3A_336] in [0] : vector<16xf32>, vector<16xi32> -> vector<16xf32>
      %max3A_338 = arith.maximumf %scan3A_265, %rev3A_337 : vector<16xf32>
      %sort3A_339 = arith.constant dense<true> : vector<16xi1>
      %sort3A_340, %sort3A_341, %sort3A_342 = tpu.sort %max3A_338, %max3A_338 masked %sort3A_339 : (vector<16xf32>, vector<16xf32>, vector<16xi1>) -> (vector<16xi1>, vector<16xf32>, vector<16xf32>)
      %add3A_343 = arith.constant 48 : i32
      %add3A_344 = arith.addi %mul3A_272, %add3A_343 : i32
      %get3A_345 = arith.index_cast %add3A_344 : i32 to index
      %get3A_346 = tpu.vector_load %arg7[%get3A_345] {strides = array<i32>} : memref<32768xf32, #tpu.memory_space<vmem>>, vector<16xf32>,
      %add3A_347 = vector.broadcast %add3A_344 : i32 to vector<16xi32>
      %add3A_348 = arith.addi %iota3A, %add3A_347 : vector<16xi32>
      %lt3A_349 = arith.cmpi slt, %add3A_348, %gather3A_135 : vector<16xi32>
      %jit3A_350 = arith.constant 0xFF800000 : f32
      %broadcast_in_dim3A_351 = vector.broadcast %jit3A_350 : f32 to vector<16xf32>
      %select_n3A_352 = arith.select %lt3A_349, %get3A_346, %broadcast_in_dim3A_351 : vector<16xi1>, vector<16xf32>
      %sort3A_353 = arith.constant dense<true> : vector<16xi1>
      %sort3A_354, %sort3A_355, %sort3A_356 = tpu.sort %select_n3A_352, %select_n3A_352 masked %sort3A_353 : (vector<16xf32>, vector<16xf32>, vector<16xi1>) -> (vector<16xi1>, vector<16xf32>, vector<16xf32>)
      %rev3A_357 = arith.constant 15 : i32
      %rev3A_358 = vector.broadcast %rev3A_357 : i32 to vector<16xi32>
      %rev3A_359 = tpu.iota {dimensions = array<i32: 0>} : vector<16xi32>
      %rev3A_360 = arith.subi %rev3A_358, %rev3A_359 : vector<16xi32>
      %rev3A_361 = tpu.dynamic_gather %sort3A_355[%rev3A_360] in [0] : vector<16xf32>, vector<16xi32> -> vector<16xf32>
      %max3A_362 = arith.maximumf %scan3A_266, %rev3A_361 : vector<16xf32>
      %sort3A_363 = arith.constant dense<true> : vector<16xi1>
      %sort3A_364, %sort3A_365, %sort3A_366 = tpu.sort %max3A_362, %max3A_362 masked %sort3A_363 : (vector<16xf32>, vector<16xf32>, vector<16xi1>) -> (vector<16xi1>, vector<16xf32>, vector<16xf32>)
      %add3A_367 = arith.constant 64 : i32
      %add3A_368 = arith.addi %mul3A_272, %add3A_367 : i32
      %get3A_369 = arith.index_cast %add3A_368 : i32 to index
      %get3A_370 = tpu.vector_load %arg7[%get3A_369] {strides = array<i32>} : memref<32768xf32, #tpu.memory_space<vmem>>, vector<16xf32>,
      %add3A_371 = vector.broadcast %add3A_368 : i32 to vector<16xi32>
      %add3A_372 = arith.addi %iota3A, %add3A_371 : vector<16xi32>
      %lt3A_373 = arith.cmpi slt, %add3A_372, %gather3A_135 : vector<16xi32>
      %jit3A_374 = arith.constant 0xFF800000 : f32
      %broadcast_in_dim3A_375 = vector.broadcast %jit3A_374 : f32 to vector<16xf32>
      %select_n3A_376 = arith.select %lt3A_373, %get3A_370, %broadcast_in_dim3A_375 : vector<16xi1>, vector<16xf32>
      %sort3A_377 = arith.constant dense<true> : vector<16xi1>
      %sort3A_378, %sort3A_379, %sort3A_380 = tpu.sort %select_n3A_376, %select_n3A_376 masked %sort3A_377 : (vector<16xf32>, vector<16xf32>, vector<16xi1>) -> (vector<16xi1>, vector<16xf32>, vector<16xf32>)
      %rev3A_381 = arith.constant 15 : i32
      %rev3A_382 = vector.broadcast %rev3A_381 : i32 to vector<16xi32>
      %rev3A_383 = tpu.iota {dimensions = array<i32: 0>} : vector<16xi32>
      %rev3A_384 = arith.subi %rev3A_382, %rev3A_383 : vector<16xi32>
      %rev3A_385 = tpu.dynamic_gather %sort3A_379[%rev3A_384] in [0] : vector<16xf32>, vector<16xi32> -> vector<16xf32>
      %max3A_386 = arith.maximumf %scan3A_267, %rev3A_385 : vector<16xf32>
      %sort3A_387 = arith.constant dense<true> : vector<16xi1>
      %sort3A_388, %sort3A_389, %sort3A_390 = tpu.sort %max3A_386, %max3A_386 masked %sort3A_387 : (vector<16xf32>, vector<16xf32>, vector<16xi1>) -> (vector<16xi1>, vector<16xf32>, vector<16xf32>)
      %add3A_391 = arith.constant 80 : i32
      %add3A_392 = arith.addi %mul3A_272, %add3A_391 : i32
      %get3A_393 = arith.index_cast %add3A_392 : i32 to index
      %get3A_394 = tpu.vector_load %arg7[%get3A_393] {strides = array<i32>} : memref<32768xf32, #tpu.memory_space<vmem>>, vector<16xf32>,
      %add3A_395 = vector.broadcast %add3A_392 : i32 to vector<16xi32>
      %add3A_396 = arith.addi %iota3A, %add3A_395 : vector<16xi32>
      %lt3A_397 = arith.cmpi slt, %add3A_396, %gather3A_135 : vector<16xi32>
      %jit3A_398 = arith.constant 0xFF800000 : f32
      %broadcast_in_dim3A_399 = vector.broadcast %jit3A_398 : f32 to vector<16xf32>
      %select_n3A_400 = arith.select %lt3A_397, %get3A_394, %broadcast_in_dim3A_399 : vector<16xi1>, vector<16xf32>
      %sort3A_401 = arith.constant dense<true> : vector<16xi1>
      %sort3A_402, %sort3A_403, %sort3A_404 = tpu.sort %select_n3A_400, %select_n3A_400 masked %sort3A_401 : (vector<16xf32>, vector<16xf32>, vector<16xi1>) -> (vector<16xi1>, vector<16xf32>, vector<16xf32>)
      %rev3A_405 = arith.constant 15 : i32
      %rev3A_406 = vector.broadcast %rev3A_405 : i32 to vector<16xi32>
      %rev3A_407 = tpu.iota {dimensions = array<i32: 0>} : vector<16xi32>
      %rev3A_408 = arith.subi %rev3A_406, %rev3A_407 : vector<16xi32>
      %rev3A_409 = tpu.dynamic_gather %sort3A_403[%rev3A_408] in [0] : vector<16xf32>, vector<16xi32> -> vector<16xf32>
      %max3A_410 = arith.maximumf %scan3A_268, %rev3A_409 : vector<16xf32>
      %sort3A_411 = arith.constant dense<true> : vector<16xi1>
      %sort3A_412, %sort3A_413, %sort3A_414 = tpu.sort %max3A_410, %max3A_410 masked %sort3A_411 : (vector<16xf32>, vector<16xf32>, vector<16xi1>) -> (vector<16xi1>, vector<16xf32>, vector<16xf32>)
      %add3A_415 = arith.constant 96 : i32
      %add3A_416 = arith.addi %mul3A_272, %add3A_415 : i32
      %get3A_417 = arith.index_cast %add3A_416 : i32 to index
      %get3A_418 = tpu.vector_load %arg7[%get3A_417] {strides = array<i32>} : memref<32768xf32, #tpu.memory_space<vmem>>, vector<16xf32>,
      %add3A_419 = vector.broadcast %add3A_416 : i32 to vector<16xi32>
      %add3A_420 = arith.addi %iota3A, %add3A_419 : vector<16xi32>
      %lt3A_421 = arith.cmpi slt, %add3A_420, %gather3A_135 : vector<16xi32>
      %jit3A_422 = arith.constant 0xFF800000 : f32
      %broadcast_in_dim3A_423 = vector.broadcast %jit3A_422 : f32 to vector<16xf32>
      %select_n3A_424 = arith.select %lt3A_421, %get3A_418, %broadcast_in_dim3A_423 : vector<16xi1>, vector<16xf32>
      %sort3A_425 = arith.constant dense<true> : vector<16xi1>
      %sort3A_426, %sort3A_427, %sort3A_428 = tpu.sort %select_n3A_424, %select_n3A_424 masked %sort3A_425 : (vector<16xf32>, vector<16xf32>, vector<16xi1>) -> (vector<16xi1>, vector<16xf32>, vector<16xf32>)
      %rev3A_429 = arith.constant 15 : i32
      %rev3A_430 = vector.broadcast %rev3A_429 : i32 to vector<16xi32>
      %rev3A_431 = tpu.iota {dimensions = array<i32: 0>} : vector<16xi32>
      %rev3A_432 = arith.subi %rev3A_430, %rev3A_431 : vector<16xi32>
      %rev3A_433 = tpu.dynamic_gather %sort3A_427[%rev3A_432] in [0] : vector<16xf32>, vector<16xi32> -> vector<16xf32>
      %max3A_434 = arith.maximumf %scan3A_269, %rev3A_433 : vector<16xf32>
      %sort3A_435 = arith.constant dense<true> : vector<16xi1>
      %sort3A_436, %sort3A_437, %sort3A_438 = tpu.sort %max3A_434, %max3A_434 masked %sort3A_435 : (vector<16xf32>, vector<16xf32>, vector<16xi1>) -> (vector<16xi1>, vector<16xf32>, vector<16xf32>)
      %add3A_439 = arith.constant 112 : i32
      %add3A_440 = arith.addi %mul3A_272, %add3A_439 : i32
      %get3A_441 = arith.index_cast %add3A_440 : i32 to index
      %get3A_442 = tpu.vector_load %arg7[%get3A_441] {strides = array<i32>} : memref<32768xf32, #tpu.memory_space<vmem>>, vector<16xf32>,
      %add3A_443 = vector.broadcast %add3A_440 : i32 to vector<16xi32>
      %add3A_444 = arith.addi %iota3A, %add3A_443 : vector<16xi32>
      %lt3A_445 = arith.cmpi slt, %add3A_444, %gather3A_135 : vector<16xi32>
      %jit3A_446 = arith.constant 0xFF800000 : f32
      %broadcast_in_dim3A_447 = vector.broadcast %jit3A_446 : f32 to vector<16xf32>
      %select_n3A_448 = arith.select %lt3A_445, %get3A_442, %broadcast_in_dim3A_447 : vector<16xi1>, vector<16xf32>
      %sort3A_449 = arith.constant dense<true> : vector<16xi1>
      %sort3A_450, %sort3A_451, %sort3A_452 = tpu.sort %select_n3A_448, %select_n3A_448 masked %sort3A_449 : (vector<16xf32>, vector<16xf32>, vector<16xi1>) -> (vector<16xi1>, vector<16xf32>, vector<16xf32>)
      %rev3A_453 = arith.constant 15 : i32
      %rev3A_454 = vector.broadcast %rev3A_453 : i32 to vector<16xi32>
      %rev3A_455 = tpu.iota {dimensions = array<i32: 0>} : vector<16xi32>
      %rev3A_456 = arith.subi %rev3A_454, %rev3A_455 : vector<16xi32>
      %rev3A_457 = tpu.dynamic_gather %sort3A_451[%rev3A_456] in [0] : vector<16xf32>, vector<16xi32> -> vector<16xf32>
      %max3A_458 = arith.maximumf %scan3A_270, %rev3A_457 : vector<16xf32>
      %sort3A_459 = arith.constant dense<true> : vector<16xi1>
      %sort3A_460, %sort3A_461, %sort3A_462 = tpu.sort %max3A_458, %max3A_458 masked %sort3A_459 : (vector<16xf32>, vector<16xf32>, vector<16xi1>) -> (vector<16xi1>, vector<16xf32>, vector<16xf32>)
      scf.yield %sort3A_293, %sort3A_317, %sort3A_341, %sort3A_365, %sort3A_389, %sort3A_413, %sort3A_437, %sort3A_461 : vector<16xf32>, vector<16xf32>, vector<16xf32>, vector<16xf32>, vector<16xf32>, vector<16xf32>, vector<16xf32>, vector<16xf32>
    }
    %scan3A_158 = arith.constant 256 : i32
    %rev3A_159 = arith.constant 15 : i32
    %rev3A_160 = vector.broadcast %rev3A_159 : i32 to vector<16xi32>
    %rev3A_161 = tpu.iota {dimensions = array<i32: 0>} : vector<16xi32>
    %rev3A_162 = arith.subi %rev3A_160, %rev3A_161 : vector<16xi32>
    %rev3A_163 = tpu.dynamic_gather %scan3A_157#1[%rev3A_162] in [0] : vector<16xf32>, vector<16xi32> -> vector<16xf32>
    %max3A_164 = arith.maximumf %scan3A_157#0, %rev3A_163 : vector<16xf32>
    %sort3A_165 = arith.constant dense<true> : vector<16xi1>
    %sort3A_166, %sort3A_167, %sort3A_168 = tpu.sort %max3A_164, %max3A_164 masked %sort3A_165 : (vector<16xf32>, vector<16xf32>, vector<16xi1>) -> (vector<16xi1>, vector<16xf32>, vector<16xf32>)
    %rev3A_169 = arith.constant 15 : i32
    %rev3A_170 = vector.broadcast %rev3A_169 : i32 to vector<16xi32>
    %rev3A_171 = tpu.iota {dimensions = array<i32: 0>} : vector<16xi32>
    %rev3A_172 = arith.subi %rev3A_170, %rev3A_171 : vector<16xi32>
    %rev3A_173 = tpu.dynamic_gather %scan3A_157#3[%rev3A_172] in [0] : vector<16xf32>, vector<16xi32> -> vector<16xf32>
    %max3A_174 = arith.maximumf %scan3A_157#2, %rev3A_173 : vector<16xf32>
    %sort3A_175 = arith.constant dense<true> : vector<16xi1>
    %sort3A_176, %sort3A_177, %sort3A_178 = tpu.sort %max3A_174, %max3A_174 masked %sort3A_175 : (vector<16xf32>, vector<16xf32>, vector<16xi1>) -> (vector<16xi1>, vector<16xf32>, vector<16xf32>)
    %rev3A_179 = arith.constant 15 : i32
    %rev3A_180 = vector.broadcast %rev3A_179 : i32 to vector<16xi32>
    %rev3A_181 = tpu.iota {dimensions = array<i32: 0>} : vector<16xi32>
    %rev3A_182 = arith.subi %rev3A_180, %rev3A_181 : vector<16xi32>
    %rev3A_183 = tpu.dynamic_gather %scan3A_157#5[%rev3A_182] in [0] : vector<16xf32>, vector<16xi32> -> vector<16xf32>
    %max3A_184 = arith.maximumf %scan3A_157#4, %rev3A_183 : vector<16xf32>
    %sort3A_185 = arith.constant dense<true> : vector<16xi1>
    %sort3A_186, %sort3A_187, %sort3A_188 = tpu.sort %max3A_184, %max3A_184 masked %sort3A_185 : (vector<16xf32>, vector<16xf32>, vector<16xi1>) -> (vector<16xi1>, vector<16xf32>, vector<16xf32>)
    %rev3A_189 = arith.constant 15 : i32
    %rev3A_190 = vector.broadcast %rev3A_189 : i32 to vector<16xi32>
    %rev3A_191 = tpu.iota {dimensions = array<i32: 0>} : vector<16xi32>
    %rev3A_192 = arith.subi %rev3A_190, %rev3A_191 : vector<16xi32>
    %rev3A_193 = tpu.dynamic_gather %scan3A_157#7[%rev3A_192] in [0] : vector<16xf32>, vector<16xi32> -> vector<16xf32>
    %max3A_194 = arith.maximumf %scan3A_157#6, %rev3A_193 : vector<16xf32>
    %sort3A_195 = arith.constant dense<true> : vector<16xi1>
    %sort3A_196, %sort3A_197, %sort3A_198 = tpu.sort %max3A_194, %max3A_194 masked %sort3A_195 : (vector<16xf32>, vector<16xf32>, vector<16xi1>) -> (vector<16xi1>, vector<16xf32>, vector<16xf32>)
    %rev3A_199 = arith.constant 15 : i32
    %rev3A_200 = vector.broadcast %rev3A_199 : i32 to vector<16xi32>
    %rev3A_201 = tpu.iota {dimensions = array<i32: 0>} : vector<16xi32>
    %rev3A_202 = arith.subi %rev3A_200, %rev3A_201 : vector<16xi32>
    %rev3A_203 = tpu.dynamic_gather %sort3A_177[%rev3A_202] in [0] : vector<16xf32>, vector<16xi32> -> vector<16xf32>
    %max3A_204 = arith.maximumf %sort3A_167, %rev3A_203 : vector<16xf32>
    %sort3A_205 = arith.constant dense<true> : vector<16xi1>
    %sort3A_206, %sort3A_207, %sort3A_208 = tpu.sort %max3A_204, %max3A_204 masked %sort3A_205 : (vector<16xf32>, vector<16xf32>, vector<16xi1>) -> (vector<16xi1>, vector<16xf32>, vector<16xf32>)
    %rev3A_209 = arith.constant 15 : i32
    %rev3A_210 = vector.broadcast %rev3A_209 : i32 to vector<16xi32>
    %rev3A_211 = tpu.iota {dimensions = array<i32: 0>} : vector<16xi32>
    %rev3A_212 = arith.subi %rev3A_210, %rev3A_211 : vector<16xi32>
    %rev3A_213 = tpu.dynamic_gather %sort3A_197[%rev3A_212] in [0] : vector<16xf32>, vector<16xi32> -> vector<16xf32>
    %max3A_214 = arith.maximumf %sort3A_187, %rev3A_213 : vector<16xf32>
    %sort3A_215 = arith.constant dense<true> : vector<16xi1>
    %sort3A_216, %sort3A_217, %sort3A_218 = tpu.sort %max3A_214, %max3A_214 masked %sort3A_215 : (vector<16xf32>, vector<16xf32>, vector<16xi1>) -> (vector<16xi1>, vector<16xf32>, vector<16xf32>)
    %rev3A_219 = arith.constant 15 : i32
    %rev3A_220 = vector.broadcast %rev3A_219 : i32 to vector<16xi32>
    %rev3A_221 = tpu.iota {dimensions = array<i32: 0>} : vector<16xi32>
    %rev3A_222 = arith.subi %rev3A_220, %rev3A_221 : vector<16xi32>
    %rev3A_223 = tpu.dynamic_gather %sort3A_217[%rev3A_222] in [0] : vector<16xf32>, vector<16xi32> -> vector<16xf32>
    %max3A_224 = arith.maximumf %sort3A_207, %rev3A_223 : vector<16xf32>
    %sort3A_225 = arith.constant dense<true> : vector<16xi1>
    %sort3A_226, %sort3A_227, %sort3A_228 = tpu.sort %max3A_224, %max3A_224 masked %sort3A_225 : (vector<16xf32>, vector<16xf32>, vector<16xi1>) -> (vector<16xi1>, vector<16xf32>, vector<16xf32>)
    %reduce_max3A_229 = arith.constant true
    %reduce_max3A_230 = vector.broadcast %reduce_max3A_229 : i1 to vector<16xi1>
    %reduce_max3A_231 = tpu.scan <max>, %sort3A_227 masked %reduce_max3A_230 : vector<16xf32>, vector<16xi1> -> vector<16xf32>
    %reduce_max3A_232 = vector.extract %reduce_max3A_231[15] : f32 from vector<16xf32>
    %ge3A_233 = arith.constant 8 : i32
    %ge3A_234 = vector.broadcast %ge3A_233 : i32 to vector<16xi32>
    %ge3A_235 = arith.cmpi sge, %iota3A, %ge3A_234 : vector<16xi32>
    %jit3A_236 = arith.constant 0.000000e+00 : f32
    %broadcast_in_dim3A_237 = vector.broadcast %jit3A_236 : f32 to vector<16xf32>
    %select_n3A_238 = arith.select %ge3A_235, %sort3A_227, %broadcast_in_dim3A_237 : vector<16xi1>, vector<16xf32>
    %reduce_sum3A_239 = arith.constant true
    %reduce_sum3A_240 = vector.broadcast %reduce_sum3A_239 : i1 to vector<16xi1>
    %reduce_sum3A_241 = tpu.scan <sum>, %select_n3A_238 masked %reduce_sum3A_240 : vector<16xf32>, vector<16xi1> -> vector<16xf32>
    %reduce_sum3A_242 = vector.extract %reduce_sum3A_241[15] : f32 from vector<16xf32>
    %mul3A_243 = arith.constant 1.250000e-01 : f32
    %mul3A_244 = arith.mulf %reduce_sum3A_242, %mul3A_243 : f32
    %eq3A_245 = arith.constant 0.000000e+00 : f32
    %eq3A_246 = vector.broadcast %eq3A_245 : f32 to vector<16xf32>
    %eq3A_247 = arith.cmpf oeq, %gather3A_136, %eq3A_246 : vector<16xf32>
    %broadcast_in_dim3A_248 = vector.broadcast %reduce_max3A_232 : f32 to vector<16xf32>
    %broadcast_in_dim3A_249 = vector.broadcast %mul3A_244 : f32 to vector<16xf32>
    %select_n3A_250 = arith.select %eq3A_247, %broadcast_in_dim3A_248, %broadcast_in_dim3A_249 : vector<16xi1>, vector<16xf32>
    %eq3A_251 = arith.constant 0 : i32
    %eq3A_252 = vector.broadcast %eq3A_251 : i32 to vector<16xi32>
    %eq3A_253 = arith.cmpi eq, %iota3A, %eq3A_252 : vector<16xi32>
    %eq3A_254 = arith.constant 1 : i32
    %eq3A_255 = vector.broadcast %eq3A_254 : i32 to vector<16xi32>
    %eq3A_256 = arith.cmpi eq, %iota3A, %eq3A_255 : vector<16xi32>
    %jit3A_257 = arith.constant 0.000000e+00 : f32
    %broadcast_in_dim3A_258 = vector.broadcast %jit3A_257 : f32 to vector<16xf32>
    %select_n3A_259 = arith.select %eq3A_256, %select_n3A_250, %broadcast_in_dim3A_258 : vector<16xi1>, vector<16xf32>
    %select_n3A_260 = arith.select %eq3A_253, %select_n3A_125, %select_n3A_259 : vector<16xi1>, vector<16xf32>
    %swap3A = arith.constant 0 : index
    %swap3A_261 = tpu.vector_load %arg10[%swap3A] {strides = array<i32>} : memref<16xf32, #tpu.memory_space<vmem>>, vector<16xf32>,
    tpu.vector_store %arg10[%swap3A], %select_n3A_260 {strides = array<i32>} : memref<16xf32, #tpu.memory_space<vmem>>, vector<16xf32>,
    "tpu.region"() ({
      %run_scoped3A = tpu.sem_alloc : memref<!tpu.dma_semaphore, #tpu.memory_space<semaphore_mem>>
      %dma_start3A_262 = arith.constant 0 : i32
      %dma_start3A_263 = tpu.memref_slice %arg5[%add3A, %dma_start3A_262] : memref<32x16xf32, #tpu.memory_space<hbm>> -> memref<1x16xf32, #tpu.memory_space<hbm>>
      %dma_start3A_264 = tpu.memref_squeeze %dma_start3A_263 : memref<1x16xf32, #tpu.memory_space<hbm>> -> memref<16xf32, #tpu.memory_space<hbm>>
      %dma_start3A_265 = arith.constant 0 : i32
      %dma_start3A_266 = tpu.memref_slice %arg5[%add3A, %dma_start3A_265] : memref<32x16xf32, #tpu.memory_space<hbm>> -> memref<1x16xf32, #tpu.memory_space<hbm>>
      %dma_start3A_267 = tpu.memref_squeeze %dma_start3A_266 : memref<1x16xf32, #tpu.memory_space<hbm>> -> memref<16xf32, #tpu.memory_space<hbm>>
      tpu.enqueue_dma source(%arg10 : memref<16xf32, #tpu.memory_space<vmem>>) target(%dma_start3A_267 : memref<16xf32, #tpu.memory_space<hbm>>) target_semaphore(%run_scoped3A : memref<!tpu.dma_semaphore, #tpu.memory_space<semaphore_mem>>)
      %dma_wait3A_268 = arith.constant 0 : i32
      %dma_wait3A_269 = tpu.memref_slice %arg5[%add3A, %dma_wait3A_268] : memref<32x16xf32, #tpu.memory_space<hbm>> -> memref<1x16xf32, #tpu.memory_space<hbm>>
      %dma_wait3A_270 = tpu.memref_squeeze %dma_wait3A_269 : memref<1x16xf32, #tpu.memory_space<hbm>> -> memref<16xf32, #tpu.memory_space<hbm>>
      %dma_wait3A_271 = arith.constant 0 : i32
      %dma_wait3A_272 = tpu.memref_slice %arg5[%add3A, %dma_wait3A_271] : memref<32x16xf32, #tpu.memory_space<hbm>> -> memref<1x16xf32, #tpu.memory_space<hbm>>
      %dma_wait3A_273 = tpu.memref_squeeze %dma_wait3A_272 : memref<1x16xf32, #tpu.memory_space<hbm>> -> memref<16xf32, #tpu.memory_space<hbm>>
      tpu.wait_dma2 semaphore(%run_scoped3A : memref<!tpu.dma_semaphore, #tpu.memory_space<semaphore_mem>>) src(%arg10 : memref<16xf32, #tpu.memory_space<vmem>>) dst(%dma_wait3A_273 : memref<16xf32, #tpu.memory_space<hbm>>)
      tpu.yield
    }) : () -> ()
    return
  }
}

module attributes {stable_mosaic.version = 14 : i64} {
  func.func @_bce_body(%arg0: memref<32x16xf32, #tpu.memory_space<vmem>>, %arg1: memref<32x2xf32, #tpu.memory_space<vmem>>, %arg2: memref<1x1xf32, #tpu.memory_space<vmem>>) attributes {dimension_semantics = [], scalar_prefetch = 0 : i64, scratch_operands = 0 : i64, tpu.core_type = #tpu.core_type<tc>} {
    %get3A = arith.constant 0 : index
    %get3A_0 = arith.constant 0 : index
    %get3A_1 = vector.load %arg0[%get3A, %get3A_0] : memref<32x16xf32, #tpu.memory_space<vmem>>, vector<32x2xf32>
    %get3A_2 = arith.constant 0 : index
    %get3A_3 = arith.constant 0 : index
    %get3A_4 = vector.load %arg1[%get3A_2, %get3A_3] : memref<32x2xf32, #tpu.memory_space<vmem>>, vector<32x2xf32>
    %max3A = arith.constant 0.000000e+00 : f32
    %max3A_5 = vector.broadcast %max3A : f32 to vector<32x2xf32>
    %max3A_6 = arith.maximumf %get3A_1, %max3A_5 : vector<32x2xf32>
    %mul3A = arith.mulf %get3A_1, %get3A_4 : vector<32x2xf32>
    %sub3A = arith.subf %max3A_6, %mul3A : vector<32x2xf32>
    %abs3A = math.absf %get3A_1 : vector<32x2xf32>
    %neg3A = arith.constant 0.000000e+00 : f32
    %neg3A_7 = vector.broadcast %neg3A : f32 to vector<32x2xf32>
    %neg3A_8 = arith.subf %neg3A_7, %abs3A : vector<32x2xf32>
    %exp3A = math.exp %neg3A_8 : vector<32x2xf32>
    %log1p3A = math.log1p %exp3A : vector<32x2xf32>
    %add3A = arith.addf %sub3A, %log1p3A : vector<32x2xf32>
    %reduce_sum3A = vector.shape_cast %add3A : vector<32x2xf32> to vector<1x32x2xf32>
    %reduce_sum3A_9 = arith.constant dense<0.000000e+00> : vector<1xf32>
    %reduce_sum3A_10 = vector.multi_reduction <add>, %reduce_sum3A, %reduce_sum3A_9 [1, 2] : vector<1x32x2xf32> to vector<1xf32>
    %reduce_sum3A_11 = vector.shape_cast %reduce_sum3A_10 : vector<1xf32> to vector<1x1x1xf32>
    %reduce_sum3A_12 = vector.extract %reduce_sum3A_11[0, 0, 0] : f32 from vector<1x1x1xf32>
    %div3A = arith.constant 6.400000e+01 : f32
    %div3A_13 = arith.divf %reduce_sum3A_12, %div3A : f32
    %reshape3A = vector.broadcast %div3A_13 : f32 to vector<1x1xf32>
    %swap3A = arith.constant 0 : index
    %swap3A_14 = arith.constant 0 : index
    %swap3A_15 = vector.load %arg2[%swap3A, %swap3A_14] : memref<1x1xf32, #tpu.memory_space<vmem>>, vector<1x1xf32>
    tpu.vector_store %arg2[%swap3A, %swap3A_14], %reshape3A {strides = array<i32>} : memref<1x1xf32, #tpu.memory_space<vmem>>, vector<1x1xf32>,
    return
  }
}

</mosaic_0001>

<sc_bundles>
// kernel: kernel.4.cloned.1.call-start
scs
__scs_entry_jumppad:
0x0: {  	(pc) =	sbr.rel $0x88, $3  }
0x1: {  	(tag) =	ssettag $0x0;
	lr =	simm.s32 $0x1  }
0x2: {  	[smem:$0x3F9E] =	sst lr;
	_ =	strace $0xD0000000  }
0x3: {  	_ = 	snop  }
0x4: {  	_ = 	snop  }
0x5: {  	_ = 	snop  }
0x6: {  	_ = 	snop  }
0x7: {  	_ = 	snop  }
__scs_overlays_trampoline_lowered:
0x8: {  	[smem:$0x3FAD] =	sst s0  }
0x9: {  	[smem:$0x3FAE] =	sst s1  }
0xa: {  	[smem:$0x3FAF] =	sst s2  }
0xb: {  	[smem:$0x3FB0] =	sst s3  }
0xc: {  	[smem:$0x3FB1] =	sst s4  }
0xd: {  	[smem:$0x3FB2] =	sst s5  }
0xe: {  	[smem:$0x3FB3] =	sst s6  }
0xf: {  	[smem:$0x3FB4] =	sst s7  }
0x10: {  	[smem:$0x3FB5] =	sst s8  }
0x11: {  	[smem:$0x3FB6] =	sst s9;
	s0 =	simm.s32 @!p0 $0x0  }
0x12: {  	s1 =	sld [smem:$0x3F9C];
	s0 =	simm.s32 @p0 $0x1  }
0x13: {  	[smem:$0x3FB7] =	sst s0;
	s0 =	simm.s32 @!p1 $0x0  }
0x14: {  	s2 =	sld [smem:$0x3F9B];
	s0 =	simm.s32 @p1 $0x1  }
0x15: {  	[smem:$0x3FB8] =	sst s0;
	s0 =	simm.s32 @!p2 $0x0  }
0x16: {  	s3 =	sld [smem:$0x3FDB];
	s0 =	simm.s32 @p2 $0x1  }
0x17: {  	s4 =	simm.s32 $0x1BF5;
	[smem:$0x3FBA] =	sst s0  }
0x18: {  	s0 =	sld [smem:$0x3F9D];
	_ =	swait.ge [sflag:s4], $0x0  }
0x19: {  	s7 =	sld [smem:$0x3F9E]  }
0x1a: {  	s8 =	sadd.s32 $0xFFFFE003, lr  }
0x1b: {  	s9 =	sadd.s32 $0xFFFFFEF7, lr;
	s5 =	simm.s32 $0xFFFFFFFF;
	p2 =	slt.u32 s8, $0xFFFFF086  }
0x1c: {  	p1 =	slt.u32 s9, $0xF7A;
	s5 =	simm.s32 @!p2 $0x0  }
0x1d: {  	s5 =	simm.s32 @p1 $0x1;
	p0 =	seq.s32 s7, s2  }
0x1e: {  	s7 =	smul.u32 @!p0 $0xF7A, s2;
	p2 =	seq.s32 @!p0 s5, $0x0  }
0x1f: {  	s9 =	smul.u32 $0xF7A, s1;
	s8 =	simm.s32 @!p0 $0x1BF5;
	p2 =	por !p2, p0  }
0x20: {  	[sflag:s8] =	ssyncset.s32 @!p0 $0xFFFFF086;
	s6 =	sadd.s32 @!p0 s3, s7;
	s7 =	simm.s32 @!p0 $0x108  }
0x21: {  	s3 =	sadd.s32 s3, s9;
	s6 =	sadd.s32 @!p0 $0x88, s6;
	s7 =	simm.s32 @p2 $0x1082  }
0x22: {  	[simem:s7], [sflag:s8] =	dma.local @!p0 [hbm:s6], $0xF7A  }
0x23: {  	s9 =	sor.u32 $0xD0000000, s2;
	s6 =	simm.s32 $0x108;
	_ =	swait.ge @!p0 [sflag:s8], $0x0  }
0x24: {  	s3 =	sadd.s32 $0x88, s3;
	s6 =	simm.s32 @!p1 $0x1082;
	[sflag:s4] =	ssyncset.s32 $0xFFFFF086  }
0x25: {  	[simem:s6], [sflag:s4] =	dma.local [hbm:s3], $0xF7A  }
0x26: {  	[smem:$0x3F9E] =	sst s1;
	(tag) =	ssettag s2;
	_ =	strace s9  }
0x27: {  	s1 =	sld [smem:$0x3FAE]  }
0x28: {  	s2 =	sld [smem:$0x3FAF]  }
0x29: {  	s4 =	sld [smem:$0x3FB1]  }
0x2a: {  	p0 =	seq.s32 s5, $0x0;
	s5 =	sld [smem:$0x3FB2]  }
0x2b: {  	s6 =	sld [smem:$0x3FB3]  }
0x2c: {  	s7 =	sld [smem:$0x3FB4]  }
0x2d: {  	s3 =	simm.s32 $0x108;
	s8 =	sld [smem:$0x3FB5]  }
0x2e: {  	s3 =	simm.s32 @!p0 $0x1082;
	s9 =	sld [smem:$0x3FB6]  }
0x2f: {  	lr =	sadd.s32 s0, s3;
	s0 =	sld [smem:$0x3FAD]  }
0x30: {  	s3 =	sld [smem:$0x3FB0]  }
0x31: {  	[smem:$0x3FB9] =	sst s10  }
0x32: {  	s10 =	sld [smem:$0x3FB7];
	_ =	sdelay $0x3  }
0x33: {  	p0 =	seq.s32 s10, $0x1;
	s10 =	sld [smem:$0x3FB9];
	_ =	sdelay $0x3  }
0x34: {  	[smem:$0x3FB9] =	sst s10  }
0x35: {  	s10 =	sld [smem:$0x3FB8];
	_ =	sdelay $0x3  }
0x36: {  	p1 =	seq.s32 s10, $0x1;
	s10 =	sld [smem:$0x3FB9];
	_ =	sdelay $0x3  }
0x37: {  	[smem:$0x3FB9] =	sst s10  }
0x38: {  	s10 =	sld [smem:$0x3FBA]  }
0x39: {  	_ = 	snop;
	(pc) =	sbr.ind lr, $3  }
0x3a: {  	_ = 	snop  }
0x3b: {  	_ = 	snop  }
0x3c: {  	p2 =	seq.s32 s10, $0x1;
	s10 =	sld [smem:$0x3FB9]  }
0x3d: {  	_ =	shalt  }
0x3e: {  	_ =	shalt  }
0x3f: {  	_ =	shalt  }
0x40: {  	_ =	shalt  }
0x41: {  	_ =	shalt  }
0x42: {  	_ =	shalt  }
0x43: {  	_ =	shalt  }
0x44: {  	_ =	shalt  }
0x45: {  	_ =	shalt  }
0x46: {  	_ =	shalt  }
0x47: {  	_ =	shalt  }
0x48: {  	_ =	shalt  }
0x49: {  	_ =	shalt  }
0x4a: {  	_ =	shalt  }
0x4b: {  	_ =	shalt  }
0x4c: {  	_ =	shalt  }
0x4d: {  	_ =	shalt  }
0x4e: {  	_ =	shalt  }
0x4f: {  	_ =	shalt  }
0x50: {  	_ =	shalt  }
0x51: {  	_ =	shalt  }
0x52: {  	_ =	shalt  }
0x53: {  	_ =	shalt  }
0x54: {  	_ =	shalt  }
0x55: {  	_ =	shalt  }
0x56: {  	_ =	shalt  }
0x57: {  	_ =	shalt  }
0x58: {  	_ =	shalt  }
0x59: {  	_ =	shalt  }
0x5a: {  	_ =	shalt  }
0x5b: {  	_ =	shalt  }
0x5c: {  	_ =	shalt  }
0x5d: {  	_ =	shalt  }
0x5e: {  	_ =	shalt  }
0x5f: {  	_ =	shalt  }
0x60: {  	_ =	shalt  }
0x61: {  	_ =	shalt  }
0x62: {  	_ =	shalt  }
0x63: {  	_ =	shalt  }
0x64: {  	_ =	shalt  }
0x65: {  	_ =	shalt  }
0x66: {  	_ =	shalt  }
0x67: {  	_ =	shalt  }
0x68: {  	_ =	shalt  }
0x69: {  	_ =	shalt  }
0x6a: {  	_ =	shalt  }
0x6b: {  	_ =	shalt  }
0x6c: {  	_ =	shalt  }
0x6d: {  	_ =	shalt  }
0x6e: {  	_ =	shalt  }
0x6f: {  	_ =	shalt  }
0x70: {  	_ =	shalt  }
0x71: {  	_ =	shalt  }
0x72: {  	_ =	shalt  }
0x73: {  	_ =	shalt  }
0x74: {  	_ =	shalt  }
0x75: {  	_ =	shalt  }
0x76: {  	_ =	shalt  }
0x77: {  	_ =	shalt  }
0x78: {  	_ =	shalt  }
0x79: {  	_ =	shalt  }
0x7a: {  	_ =	shalt  }
0x7b: {  	_ =	shalt  }
0x7c: {  	_ =	shalt  }
0x7d: {  	_ =	shalt  }
0x7e: {  	_ =	shalt  }
0x7f: {  	_ =	shalt  }
0x80: {  	_ =	shalt  }
0x81: {  	_ =	shalt  }
0x82: {  	_ =	shalt  }
0x83: {  	_ =	shalt  }
0x84: {  	_ =	shalt  }
0x85: {  	_ =	shalt  }
0x86: {  	_ =	shalt  }
0x87: {  	_ =	shalt  }
.Lfunc_end0:
.L_simem_size_0:
called_computation_lowered:
.L_overlay_start_0:
0x88: {  	s2 =	sld [smem:$0x3FD9]  }
0x89: {  	s3 =	sld [smem:$0x3FFE];
	_ =	sdelay $0x1  }
0x8a: {  	s1 =	srdreg.scid  }
0x8b: {  	s0 =	sand.u32 $0x1, s1  }
0x8c: {  	s17 =	sshll.u32 s0, $0xA;
	s2 =	sadd.s32 s3, s2  }
0x8d: {  	s2 =	sadd.s32 s2, s17  }
0x8e: {  	[smem:$0x3FC5] =	sst s2  }
0x8f: {  	_ = 	snop  }
0x90: {  	s2 =	sld [smem:$0x3FC9]  }
0x91: {  	s18 =	sld [smem:$0x3FC8]  }
0x92: {  	s4 =	sld [smem:$0x3FC7];
	(tm) =	ssettm $0x1  }
0x93: {  	s5 =	sld [smem:$0x3FFB];
	_ =	sdelay $0x3  }
0x94: {  	_ =	strace s5  }
0x95: {  	s5 =	sld [smem:$0x3FFC];
	_ =	sdelay $0x3  }
0x96: {  	_ =	strace s5  }
0x97: {  	s5 =	sld [smem:$0x3FFD];
	_ =	sdelay $0x3  }
0x98: {  	_ =	strace s5  }
0x99: {  	_ =	strace $0x8FFFFFFF  }
0x9a: {  	s19 =	sld [smem:$0x3FDB];
	_ =	sdelay $0x1  }
0x9b: {  	s6 =	simm.s32 $_scs_section_size  }
0x9c: {  	s7 =	simm.s32 $_size__tile_overlayer_lowered;
	s8 =	simm.s32 $_tile_overlayer_lowered  }
0x9d: {  	s22 =	simm.s32 $0x1BFF;
	s21 =	sshll.u32 s8, $0x1;
	s5 =	sadd.s32 s6, s19  }
0x9e: {  	s9 =	simm.s32 $0x0;
	s20 =	sshll.u32 s7, $0x1;
	s7 =	sadd.s32 s21, s5  }
0x9f: {  	[timem:s9], [sflag:s22] =	dma.local [hbm:s7], s20  }
0xa0: {  	_ =	swait.ge [sflag:s22], s20  }
0xa1: {  	s6 =	ssub.s32 $0x0, s20;
	[sflag:s22] =	ssyncset.done $0x0  }
0xa2: {  	[sflag:s22] =	ssyncadd.s32 s6;
	_ =	sdelay $0x1  }
0xa3: {  	s23 =	simm.s32 $0x1B8B  }
0xa4: {  	_ =	swait.ge [sflag:s23], $0x1  }
0xa5: {  	[sflag:s23] =	ssyncset.done $0x0  }
0xa6: {  	s25 =	simm.s32 $0x1B8E;
	s24 =	sld [smem:$0x3FFE];
	[sflag:s23] =	ssyncadd.s32 $0xFFFFFFFF  }
0xa7: {  	s26 =	simm.s32 $execute0_lowered;
	[smem:$0x3FD2] =	sst s25  }
0xa8: {  	s7 =	sshll.u32 s26, $0x1;
	_ =	strace $0x80000046;
	[dreg:$0x1] =	wrdreg $0xFFFFFFFF  }
0xa9: {  	s28 =	simm.s32 $_size_execute0_lowered;
	s5 =	sadd.s32 s5, s7;
	[dreg:$0x0] =	wrdreg $0x0  }
0xaa: {  	s7 =	sshll.u32 s28, $0x1;
	[dreg:$0x2] =	wrdreg s5  }
0xab: {  	[dreg:$0x3] =	wrdreg s7  }
0xac: {  	[dreg:$0x4] =	wrdreg $0xC0  }
0xad: {  	_ =	task [dreg:s9], $0x5FFFF  }
0xae: {  	[dreg:$0x1] =	wrdreg $0xFFFFFFFF  }
0xaf: {  	[dreg:$0x0] =	wrdreg $0x60  }
0xb0: {  	[dreg:$0x2] =	wrdreg s2  }
0xb1: {  	[dreg:$0x3] =	wrdreg s4  }
0xb2: {  	[dreg:$0x4] =	wrdreg s18  }
0xb3: {  	[dreg:$0x5] =	wrdreg s24  }
0xb4: {  	[dreg:$0x6] =	wrdreg $0x9  }
0xb5: {  	_ =	task.clear_ibuf [dreg:s9], $0x7FFFF;
	_ =	strace $0x90000046  }
0xb6: {  	s29 =	simm.s32 $0x9;
	_ =	strace $0x80000048  }
0xb7: {  	_ =	swait.ge [sflag:s29], $0x1  }
0xb8: {  	[sflag:s29] =	ssyncadd.s32 $0xFFFFFFFF  }
0xb9: {  	_ =	strace $0x90000048  }
0xba: {  	_ =	sfence  }
0xbb: {  	s30 =	sld [smem:$0x0];
	_ =	sdelay $0x2  }
0xbc: {  	s31 =	sshll.u32 s1, $0xD;
	s1 =	sshrl.u32 s1, $0x2  }
0xbd: {  	s3 =	sand.u32 $0x4000, s31;
	s1 =	sadd.s32 s1, s30  }
0xbe: {  	s0 =	sor.u32 s3, s0;
	s1 =	sshll.u32 s1, $0x11  }
0xbf: {  	s0 =	sor.u32 s1, s0  }
0xc0: {  	s0 =	sadd.s32 $0x8F2B, s0  }
0xc1: {  	[sflag:s0] =	ssyncadd.remote.s32 $0x1  }
0xc2: {  	_ =	sfence.sel $0xFFFF  }
0xc3: {  	[dreg:$0x0] =	wrdreg $0xFFFFFFFF;
	(pc) =	sbr.abs _section_cstart, $3  }
0xc4: {  	[dreg:$0x1] =	wrdreg $0xFFFFFFFF  }
0xc5: {  	_ =	task.clear_ibuf [dreg:s9], $0x2FFFF;
	_ =	strace $0x9FFFFFFF  }
0xc6: {  	(tm) =	ssettm $0x7FFFFFFF  }
0xc7: {  	_ =	shalt  }
tec
execute0_lowered:
.L_overlay_start_1:
0x0: {  	(tag) =	ssettag $0x1  }
0x1: {  	s6 =	rddreg [dreg:$0x0]  }
0x2: {  	s1 =	rddreg [dreg:$0x1]  }
0x3: {  	s3 =	rddreg [dreg:$0x2];
	s2 =	srdreg.scid  }
0x4: {  	s0 =	stileid.u32;
	s5 =	rddreg [dreg:$0x3];
	s4 =	simm.s32 $0x0  }
0x5: {  	s13 =	simm.s32 $0x3;
	s14 =	simm.s32 $0x10080;
	s15 =	simm.s32 $0x1  }
0x6: {  	s17 =	simm.s32 $0x10100;
	s7 =	sand.u32 $0x1, s2;
	s2 =	rddreg [dreg:$0x4]  }
0x7: {  	s18 =	simm.s32 $0x0;
	s8 =	sshll.u32 s0, $0x1;
	[smem:$0x7FF] =	sst s4  }
0x8: {  	s28 =	sshll.u32 s0, $0x11;
	s8 =	sor.u32 s7, s8;
	_ =	strace $0x80000047  }
0x9: {  	s7 =	ssub.s32 $0x2, s7;
	s9 =	sshll.u32 s8, $0x4;
	s16 =	sshllo.u32 s8, $0x1  }
0xa: {  	s10 =	sshll.u32 s8, $0x8;
	s29 =	sshrl.u32 s7, $0x1;
	s12 =	sshll.u32 s8, $0x1  }
0xb: {  	s9 =	sadd.s32 s9, s5;
	s11 =	sshll.u32 s16, $0x7;
	s10 =	sor.u32 s28, s10  }
0xc: {  	v1 =	vmov s12;
	s12 =	simm.s32 $0x10000;
	v2 =	vmov s16;
	s16 =	simm.s32 $0x2;
	s5 =	sor.u32 s28, s11  }
0xd: {  	v0 =	vlaneseq.u32;
	s10 =	sand.u32 $0x1C0300, s10;
	s11 =	ssub.s32 s7, s29;
	s7 =	sadd.s32 $0x800, s9  }
0xe: {  	v3 =	vmul.u32 $0xFFFFFFFF, v0;
	s9 =	simm.s32 $0x80;
	s5 =	sand.u32 $0x1C0380, s5;
	s30 =	sshrl.u32 s10, $0x3  }
0xf: {  	s8 =	smax.u32 s11, $0x1;
	s10 =	simm.s32 $0x400;
	s31 =	sshrl.u32 s5, $0x3  }
0x10: {  	vm0 =	vcmask $0x3F08;
	v3 =	vadd.s32 $0xF, v3;
	v1 =	vbroadcast v1, $0x0;
	s11 =	simm.s32 $0x8000;
	s5 =	sadd.s32 s6, s30;
	s6 =	sadd.s32 s6, s31  }
.LBB2_1:
0x11: {  	[tilespmem:s4], [sflag:$0x1] =	stream.strided.gather [hbm4b:s5+s9], $0x8000, s10, s9, $0x38;
	[tilespmem:$0x10180] =	vst v63  }
0x12: {  	_ = 	snop  }
0x13: {  	[tilespmem:s11], [sflag:$0x2] =	stream.strided.gather [hbm4b:s6+s9], $0x8000, s10, s9, $0x38;
	[tilespmem:$0x10180] =	vst v63  }
0x14: {  	_ = 	snop  }
0x15: {  	[tilespmem:s12], [sflag:$0x3] =	stream.linear.gather [hbm4b:s1+s4], $0x80, $0x38;
	[tilespmem:$0x10180] =	vst v63  }
0x16: {  	_ =	swait.ge [sflag:s13], $0x80  }
0x17: {  	[sflag:s13] =	ssyncset.done $0x0  }
0x18: {  	[sflag:s13] =	ssyncadd.s32 $0xFFFFFF80  }
0x19: {  	[tilespmem:s14], [sflag:$0x3] =	stream.linear.gather [hbm4b:s3+s4], $0x80, $0x38;
	[tilespmem:$0x10180] =	vst v63  }
0x1a: {  	_ =	swait.ge [sflag:s13], $0x80  }
0x1b: {  	[sflag:s13] =	ssyncset.done $0x0  }
0x1c: {  	[sflag:s13] =	ssyncadd.s32 $0xFFFFFF80  }
0x1d: {  	_ =	swait.ge [sflag:s15], $0x8000  }
0x1e: {  	[sflag:s15] =	ssyncset.done $0x0  }
0x1f: {  	[sflag:s15] =	ssyncadd.s32 $0xFFFF8000  }
0x20: {  	s19 =	simm.s32 $0x40;
	v5 =	vld.idx.msk [tilespmem:v1+s12+$0x0], $0xffff  }
0x21: {  	v4 =	vld [tilespmem:s19+$0xFFFFFFC0]  }
0x22: {  	v6 =	vld [tilespmem:s19+$0xFFFFFFD0]  }
0x23: {  	s20 =	simm.s32 $0x0;
	v7 =	vld [tilespmem:s19+$0xFFFFFFE0]  }
0x24: {  	s29 =	simm.s32 $0x10;
	v8 =	vor.u32 s20, v0;
	v9 =	vld [tilespmem:s19+$0xFFFFFFF0]  }
0x25: {  	s30 =	simm.s32 $0x20;
	v10 =	vld [tilespmem:s19+$0x0];
	vm1 =	vlt.s32 v8, v5;
	v8 =	vor.u32 s29, v0  }
0x26: {  	s31 =	simm.s32 $0x30;
	v11 =	vld [tilespmem:s19+$0x10];
	v4 =	vnsel vm1, $0xFF800000, v4;
	vm1 =	vlt.s32 v8, v5;
	v8 =	vor.u32 s30, v0  }
0x27: {  	s21 =	simm.s32 $0x40;
	v12 =	vld [tilespmem:s19+$0x20];
	v6 =	vnsel vm1, $0xFF800000, v6;
	vm1 =	vlt.s32 v8, v5;
	v8 =	vor.u32 s31, v0;
	(xrf1) =	vsort.ascd.msk.f32 $0xffff, v4, v4  }
0x28: {  	s22 =	simm.s32 $0x50;
	v4 =	vnsel vm1, $0xFF800000, v7;
	vm1 =	vlt.s32 v8, v5;
	v7 =	vor.u32 s21, v0;
	v8 =	vld [tilespmem:s19+$0x30];
	(xrf1) =	vsort.ascd.msk.f32 $0xffff, v6, v6  }
0x29: {  	s23 =	simm.s32 $0x60;
	v6 =	vnsel vm1, $0xFF800000, v9;
	vm1 =	vlt.s32 v7, v5;
	v7 =	vor.u32 s22, v0;
	(xrf1) =	vsort.ascd.msk.f32 $0xffff, v4, v4  }
0x2a: {  	s24 =	simm.s32 $0x70;
	s25 =	simm.s32 $0xC0;
	v4 =	vnsel vm1, $0xFF800000, v10;
	vm1 =	vlt.s32 v7, v5;
	v7 =	vor.u32 s23, v0;
	(xrf1) =	vsort.ascd.msk.f32 $0xffff, v6, v6  }
0x2b: {  	v6 =	vnsel vm1, $0xFF800000, v11;
	vm1 =	vlt.s32 v7, v5;
	v7 =	vor.u32 s24, v0;
	(xrf1) =	vsort.ascd.msk.f32 $0xffff, v4, v4;
	v4 =	vld [tilespmem:s25+$0xFFFFFFC0]  }
0x2c: {  	v9 =	vnsel vm1, $0xFF800000, v12;
	vm1 =	vlt.s32 v7, v5;
	(xrf1) =	vsort.ascd.msk.f32 $0xffff, v6, v6;
	v6 =	vld [tilespmem:s25+$0xFFFFFFD0]  }
0x2d: {  	s26 =	simm.s32 $0x80;
	v7 =	vnsel vm1, $0xFF800000, v8;
	(xrf1) =	vsort.ascd.msk.f32 $0xffff, v9, v9;
	v8 =	vld [tilespmem:s25+$0xFFFFFFE0]  }
0x2e: {  	s28 =	simm.s32 $0x90;
	v9 =	vld [tilespmem:s25+$0xFFFFFFF0];
	(xrf1) =	vsort.ascd.msk.f32 $0xffff, v7, v7;
	v7 =	vor.u32 s26, v0  }
0x2f: {  	s29 =	simm.s32 $0xA0;
	v10 =	vld [tilespmem:s25+$0x0];
	vm1 =	vlt.s32 v7, v5;
	v7 =	vor.u32 s28, v0  }
0x30: {  	s30 =	simm.s32 $0xB0;
	v11 =	vld [tilespmem:s25+$0x10];
	v4 =	vnsel vm1, $0xFF800000, v4;
	vm1 =	vlt.s32 v7, v5;
	v7 =	vor.u32 s29, v0  }
0x31: {  	s31 =	simm.s32 $0xC0;
	v6 =	vnsel vm1, $0xFF800000, v6;
	vm1 =	vlt.s32 v7, v5;
	v7 =	vor.u32 s30, v0  }
0x32: {  	s21 =	simm.s32 $0xD0;
	v12 =	vld [tilespmem:s25+$0x20];
	(xrf1) =	vsort.ascd.msk.f32 $0xffff, v4, v4;
	v4 =	vnsel vm1, $0xFF800000, v8;
	vm1 =	vlt.s32 v7, v5;
	v7 =	vor.u32 s31, v0  }
0x33: {  	v8 =	vld [tilespmem:s25+$0x30];
	(xrf1) =	vsort.ascd.msk.f32 $0xffff, v6, v6;
	v6 =	vnsel vm1, $0xFF800000, v9;
	vm1 =	vlt.s32 v7, v5;
	v7 =	vor.u32 s21, v0  }
0x34: {  	s22 =	simm.s32 $0xE0;
	(xrf1) =	vsort.ascd.msk.f32 $0xffff, v4, v4;
	v4 =	vnsel vm1, $0xFF800000, v10;
	vm1 =	vlt.s32 v7, v5  }
0x35: {  	s23 =	simm.s32 $0xF0;
	v7 =	vor.u32 s22, v0;
	(xrf1) =	vsort.ascd.msk.f32 $0xffff, v6, v6;
	v9 =	vnsel vm1, $0xFF800000, v11  }
0x36: {  	vm1 =	vlt.s32 v7, v5;
	v7 =	vor.u32 s23, v0;
	(xrf1) =	vsort.ascd.msk.f32 $0xffff, v4, v4;
	v6, _, _ =	vpop (xrf1)  }
0x37: {  	v10 =	vnsel vm1, $0xFF800000, v12;
	vm1 =	vlt.s32 v7, v5;
	(xrf1) =	vsort.ascd.msk.f32 $0xffff, v9, v9;
	v4, _, _ =	vpop (xrf1);
	v6 =	vperm.xlane v6, v3  }
0x38: {  	v7 =	vimm.f32 $-Inf;
	v8 =	vnsel vm1, $0xFF800000, v8;
	(xrf1) =	vsort.ascd.msk.f32 $0xffff, v10, v10;
	v9, _, _ =	vpop (xrf1);
	v4 =	vperm.xlane v4, v3  }
0x39: {  	(xrf1) =	vsort.ascd.msk.f32 $0xffff, v8, v8;
	v6 =	vmax.f32 v7, v6;
	v8 =	vperm.xlane v9, v3  }
0x3a: {  	v10, _, _ =	vpop (xrf1);
	v4 =	vmax.f32 v7, v4  }
0x3b: {  	v9, _, _ =	vpop (xrf1);
	v10 =	vperm.xlane v10, v3;
	v8 =	vmax.f32 v7, v8  }
0x3c: {  	s19 =	simm.s32 $0x140;
	(xrf1) =	vsort.ascd.msk.f32 $0xffff, v6, v6;
	v6, _, _ =	vpop (xrf1)  }
0x3d: {  	v11 =	vld [tilespmem:s19+$0xFFFFFFC0];
	v9 =	vperm.xlane v9, v3;
	(xrf1) =	vsort.ascd.msk.f32 $0xffff, v4, v4;
	v10 =	vmax.f32 v7, v10;
	v4, _, _ =	vpop (xrf1)  }
0x3e: {  	v12 =	vld [tilespmem:s19+$0xFFFFFFD0];
	v6 =	vperm.xlane v6, v3;
	(xrf1) =	vsort.ascd.msk.f32 $0xffff, v8, v8;
	v8, _, _ =	vpop (xrf1);
	v4 =	vperm.xlane v4, v3  }
0x3f: {  	s24 =	simm.s32 $0x100;
	v9 =	vmax.f32 v7, v9;
	(xrf1) =	vsort.ascd.msk.f32 $0xffff, v10, v10;
	v10 =	vld [tilespmem:s19+$0xFFFFFFE0];
	v8 =	vperm.xlane v8, v3  }
0x40: {  	v13 =	vld [tilespmem:s19+$0xFFFFFFF0];
	s25 =	simm.s32 $0x110;
	v6 =	vmax.f32 v7, v6;
	(xrf1) =	vsort.ascd.msk.f32 $0xffff, v9, v9;
	v9 =	vor.u32 s24, v0;
	v4 =	vmax.f32 v7, v4  }
0x41: {  	s26 =	simm.s32 $0x120;
	(xrf1) =	vsort.ascd.msk.f32 $0xffff, v6, v6;
	vm1 =	vlt.s32 v9, v5;
	v6 =	vor.u32 s25, v0;
	v9 =	vld [tilespmem:s19+$0x0];
	v7 =	vmax.f32 v7, v8  }
0x42: {  	s28 =	simm.s32 $0x130;
	v14, _, _ =	vpop (xrf1);
	(xrf1) =	vsort.ascd.msk.f32 $0xffff, v4, v4;
	v4 =	vnsel vm1, $0xFF800000, v11;
	vm1 =	vlt.s32 v6, v5;
	v6 =	vor.u32 s26, v0;
	v11 =	vld [tilespmem:s19+$0x10]  }
0x43: {  	s29 =	simm.s32 $0x140;
	v15, _, _ =	vpop (xrf1);
	(xrf1) =	vsort.ascd.msk.f32 $0xffff, v7, v7;
	v7 =	vnsel vm1, $0xFF800000, v12;
	vm1 =	vlt.s32 v6, v5;
	v6 =	vor.u32 s28, v0  }
0x44: {  	s30 =	simm.s32 $0x150;
	v8 =	vor.u32 s29, v0;
	(xrf1) =	vsort.ascd.msk.f32 $0xffff, v4, v4;
	v4 =	vnsel vm1, $0xFF800000, v10;
	vm1 =	vlt.s32 v6, v5  }
0x45: {  	s31 =	simm.s32 $0x160;
	v16, _, _ =	vpop (xrf1);
	v12 =	vld [tilespmem:s19+$0x20];
	(xrf1) =	vsort.ascd.msk.f32 $0xffff, v7, v7;
	v10 =	vnsel vm1, $0xFF800000, v13;
	vm1 =	vlt.s32 v8, v5;
	v8 =	vor.u32 s30, v0  }
0x46: {  	v17 =	vld [tilespmem:s19+$0x30];
	v6, _, _ =	vpop (xrf1);
	(xrf1) =	vsort.ascd.msk.f32 $0xffff, v4, v4;
	v4 =	vnsel vm1, $0xFF800000, v9;
	vm1 =	vlt.s32 v8, v5;
	v9 =	vor.u32 s31, v0  }
0x47: {  	v7, _, _ =	vpop (xrf1);
	(xrf1) =	vsort.ascd.msk.f32 $0xffff, v10, v10;
	v10 =	vnsel vm1, $0xFF800000, v11  }
0x48: {  	s21 =	simm.s32 $0x170;
	v8, _, _ =	vpop (xrf1)  }
0x49: {  	vm1 =	vlt.s32 v9, v5;
	v11 =	vor.u32 s21, v0;
	(xrf1) =	vsort.ascd.msk.f32 $0xffff, v4, v4;
	v9, _, _ =	vpop (xrf1)  }
0x4a: {  	v4 =	vnsel vm1, $0xFF800000, v12;
	vm1 =	vlt.s32 v11, v5;
	v12 =	vperm.xlane v14, v3;
	(xrf1) =	vsort.ascd.msk.f32 $0xffff, v10, v10;
	v10, _, _ =	vpop (xrf1)  }
0x4b: {  	v11 =	vperm.xlane v15, v3;
	v13 =	vnsel vm1, $0xFF800000, v17;
	(xrf1) =	vsort.ascd.msk.f32 $0xffff, v4, v4;
	v14, _, _ =	vpop (xrf1)  }
0x4c: {  	s20 =	simm.s32 $0x1F0;
	v4 =	vld.idx.msk [tilespmem:v1+s14+$0x0], $0xffff;
	(xrf1) =	vsort.ascd.msk.f32 $0xffff, v13, v13;
	v13 =	vmax.f32 v14, v12;
	v12 =	vperm.xlane v16, v3;
	v14, _, _ =	vpop (xrf1)  }
.LBB2_2:
0x4d: {  	p0 =	sne.s32 s20, $0x7FF0;
	v14 =	vmax.f32 v14, v11;
	v16 =	vperm.xlane v6, v3;
	(xrf1) =	vsort.ascd.msk.f32 $0xffff, v13, v13;
	v13, _, _ =	vpop (xrf1)  }
0x4e: {  	s19 =	sadd.s32 $0x80, s19;
	v17 =	vperm.xlane v7, v3;
	v12 =	vmax.f32 v13, v12;
	(xrf1) =	vsort.ascd.msk.f32 $0xffff, v14, v14;
	v11, _, _ =	vpop (xrf1)  }
0x4f: {  	v8 =	vperm.xlane v8, v3;
	v13 =	vld [tilespmem:s19+$0xFFFFFFC0];
	v14 =	vmax.f32 v11, v16;
	(xrf1) =	vsort.ascd.msk.f32 $0xffff, v12, v12;
	v11, _, _ =	vpop (xrf1)  }
0x50: {  	v9 =	vperm.xlane v9, v3;
	v12 =	vld [tilespmem:s19+$0xFFFFFFD0];
	v15 =	vmax.f32 v11, v17;
	(xrf1) =	vsort.ascd.msk.f32 $0xffff, v14, v14;
	v6, _, _ =	vpop (xrf1)  }
0x51: {  	s21 =	sadd.s32 $0xFFFFFF90, s20;
	v11 =	vld [tilespmem:s19+$0xFFFFFFE0];
	v16 =	vmax.f32 v6, v8;
	v8 =	vperm.xlane v10, v3;
	(xrf1) =	vsort.ascd.msk.f32 $0xffff, v15, v15;
	v7, _, _ =	vpop (xrf1)  }
0x52: {  	v10 =	vor.u32 s21, v0;
	s21 =	sadd.s32 $0xFFFFFFA0, s20;
	v14 =	vld [tilespmem:s19+$0xFFFFFFF0];
	v7 =	vmax.f32 v7, v9;
	(xrf1) =	vsort.ascd.msk.f32 $0xffff, v16, v16;
	v6, _, _ =	vpop (xrf1)  }
0x53: {  	vm1 =	vlt.s32 v10, v5;
	v9 =	vor.u32 s21, v0;
	s21 =	sadd.s32 $0xFFFFFFB0, s20;
	v10 =	vld [tilespmem:s19+$0x0];
	v15, _, _ =	vpop (xrf1);
	v6 =	vmax.f32 v6, v8;
	(xrf1) =	vsort.ascd.msk.f32 $0xffff, v7, v7  }
0x54: {  	v8 =	vor.u32 s21, v0;
	s21 =	sadd.s32 $0xFFFFFFC0, s20;
	v7 =	vnsel vm1, $0xFF800000, v13;
	vm1 =	vlt.s32 v9, v5;
	v9 =	vld [tilespmem:s19+$0x10];
	v13, _, _ =	vpop (xrf1);
	(xrf1) =	vsort.ascd.msk.f32 $0xffff, v6, v6  }
0x55: {  	v17 =	vnsel vm1, $0xFF800000, v12;
	vm1 =	vlt.s32 v8, v5;
	v8 =	vor.u32 s21, v0;
	s21 =	sadd.s32 $0xFFFFFFD0, s20;
	v12 =	vld [tilespmem:s19+$0x20];
	(xrf1) =	vsort.ascd.msk.f32 $0xffff, v7, v7;
	v16, _, _ =	vpop (xrf1)  }
0x56: {  	v18 =	vnsel vm1, $0xFF800000, v11;
	vm1 =	vlt.s32 v8, v5;
	v20 =	vor.u32 s21, v0;
	s21 =	sadd.s32 $0xFFFFFFE0, s20;
	v11 =	vld [tilespmem:s19+$0x30];
	(xrf1) =	vsort.ascd.msk.f32 $0xffff, v17, v17;
	v6, _, _ =	vpop (xrf1)  }
0x57: {  	v14 =	vnsel vm1, $0xFF800000, v14;
	vm1 =	vlt.s32 v20, v5;
	v19 =	vor.u32 s21, v0;
	s21 =	sadd.s32 $0xFFFFFFF0, s20;
	(xrf1) =	vsort.ascd.msk.f32 $0xffff, v18, v18;
	v7, _, _ =	vpop (xrf1)  }
.Ltmp0:
0x58: {  	v18 =	vnsel vm1, $0xFF800000, v10;
	vm1 =	vlt.s32 v19, v5;
	v17 =	vor.u32 s21, v0;
	(xrf1) =	vsort.ascd.msk.f32 $0xffff, v14, v14;
	v8, _, _ =	vpop (xrf1);
	(pc) =	sbr.rel @p0 .LBB2_2-.Ltmp0, $4  }
0x59: {  	v14 =	vnsel vm1, $0xFF800000, v9;
	vm1 =	vlt.s32 v17, v5;
	v17 =	vor.u32 s20, v0;
	(xrf1) =	vsort.ascd.msk.f32 $0xffff, v18, v18;
	v9, _, _ =	vpop (xrf1)  }
0x5a: {  	v18 =	vnsel vm1, $0xFF800000, v12;
	vm1 =	vlt.s32 v17, v5;
	(xrf1) =	vsort.ascd.msk.f32 $0xffff, v14, v14;
	v17 =	vperm.xlane v15, v3;
	v10, _, _ =	vpop (xrf1)  }
0x5b: {  	v15 =	vnsel vm1, $0xFF800000, v11;
	(xrf1) =	vsort.ascd.msk.f32 $0xffff, v18, v18;
	v11 =	vperm.xlane v13, v3;
	v12, _, _ =	vpop (xrf1)  }
0x5c: {  	s20 =	sadd.s32 $0x80, s20;
	(xrf1) =	vsort.ascd.msk.f32 $0xffff, v15, v15;
	v13 =	vmax.f32 v12, v17;
	v12 =	vperm.xlane v16, v3;
	v14, _, _ =	vpop (xrf1)  }
0x5d: {  	v5 =	vmax.f32 v14, v11;
	_ =	sdelay $0x1  }
0x5e: {  	v6 =	vperm.xlane v6, v3;
	(xrf1) =	vsort.ascd.msk.f32 $0xffff, v13, v13;
	v11, _, _ =	vpop (xrf1)  }
0x5f: {  	(xrf1) =	vsort.ascd.msk.f32 $0xffff, v5, v5;
	v5, _, _ =	vpop (xrf1)  }
0x60: {  	v5 =	vmax.f32 v5, v6  }
0x61: {  	v7 =	vperm.xlane v7, v3;
	v11 =	vmax.f32 v11, v12  }
0x62: {  	(xrf1) =	vsort.ascd.msk.f32 $0xffff, v11, v11;
	v6 =	vperm.xlane v8, v3;
	v8, _, _ =	vpop (xrf1)  }
0x63: {  	v7 =	vmax.f32 v8, v7;
	(xrf1) =	vsort.ascd.msk.f32 $0xffff, v5, v5;
	v5, _, _ =	vpop (xrf1)  }
0x64: {  	v5 =	vmax.f32 v5, v6  }
0x65: {  	v8 =	vperm.xlane v9, v3  }
0x66: {  	(xrf1) =	vsort.ascd.msk.f32 $0xffff, v7, v7;
	v6 =	vperm.xlane v10, v3;
	v7, _, _ =	vpop (xrf1)  }
0x67: {  	(xrf1) =	vsort.ascd.msk.f32 $0xffff, v5, v5;
	v5, _, _ =	vpop (xrf1)  }
0x68: {  	v5 =	vmax.f32 v5, v6  }
0x69: {  	v7 =	vmax.f32 v7, v8;
	v8, _, _ =	vpop (xrf1)  }
0x6a: {  	(xrf1) =	vsort.ascd.msk.f32 $0xffff, v7, v7;
	v6, _, _ =	vpop (xrf1)  }
0x6b: {  	(xrf1) =	vsort.ascd.msk.f32 $0xffff, v5, v5;
	v5, _, _ =	vpop (xrf1)  }
0x6c: {  	v7, _, _ =	vpop (xrf1)  }
0x6d: {  	v9, _, _ =	vpop (xrf1)  }
0x6e: {  	v10, _, _ =	vpop (xrf1)  }
0x6f: {  	v11, _, _ =	vpop (xrf1)  }
0x70: {  	v8 =	vperm.xlane v8, v3;
	v12, _, _ =	vpop (xrf1)  }
0x71: {  	v6 =	vperm.xlane v6, v3;
	v13, _, _ =	vpop (xrf1)  }
0x72: {  	v8 =	vmax.f32 v13, v8;
	v13, _, _ =	vpop (xrf1)  }
0x73: {  	v6 =	vmax.f32 v13, v6  }
0x74: {  	v5 =	vperm.xlane v5, v3  }
0x75: {  	v7 =	vperm.xlane v7, v3;
	(xrf1) =	vsort.ascd.msk.f32 $0xffff, v8, v8;
	v8, _, _ =	vpop (xrf1)  }
0x76: {  	(xrf1) =	vsort.ascd.msk.f32 $0xffff, v6, v6;
	v5 =	vmax.f32 v8, v5;
	v6, _, _ =	vpop (xrf1)  }
0x77: {  	v6 =	vmax.f32 v6, v7  }
0x78: {  	v8 =	vperm.xlane v9, v3  }
0x79: {  	v7 =	vperm.xlane v10, v3;
	(xrf1) =	vsort.ascd.msk.f32 $0xffff, v5, v5;
	v5, _, _ =	vpop (xrf1)  }
0x7a: {  	(xrf1) =	vsort.ascd.msk.f32 $0xffff, v6, v6;
	v5 =	vmax.f32 v5, v8;
	v6, _, _ =	vpop (xrf1)  }
0x7b: {  	v6 =	vmax.f32 v6, v7  }
0x7c: {  	v8 =	vperm.xlane v11, v3  }
0x7d: {  	v7 =	vperm.xlane v12, v3;
	(xrf1) =	vsort.ascd.msk.f32 $0xffff, v5, v5;
	v5, _, _ =	vpop (xrf1)  }
0x7e: {  	(xrf1) =	vsort.ascd.msk.f32 $0xffff, v6, v6;
	v5 =	vmax.f32 v5, v8;
	v6, _, _ =	vpop (xrf1)  }
0x7f: {  	v6 =	vmax.f32 v6, v7;
	(xrf1) =	vsort.ascd.msk.f32 $0xffff, v5, v5  }
0x80: {  	(xrf1) =	vsort.ascd.msk.f32 $0xffff, v6, v6;
	_ =	sdelay $0x6  }
0x81: {  	v5, _, _ =	vpop (xrf1)  }
0x82: {  	v6, _, _ =	vpop (xrf1)  }
0x83: {  	v7, _, _ =	vpop (xrf1)  }
0x84: {  	v8, _, _ =	vpop (xrf1)  }
0x85: {  	v9, _, _ =	vpop (xrf1)  }
0x86: {  	v10, _, _ =	vpop (xrf1)  }
0x87: {  	v8 =	vperm.xlane v8, v3;
	v11, _, _ =	vpop (xrf1)  }
0x88: {  	v10 =	vperm.xlane v10, v3;
	v12, _, _ =	vpop (xrf1)  }
0x89: {  	v7 =	vmax.f32 v7, v8;
	v8 =	vperm.xlane v12, v3  }
0x8a: {  	(xrf1) =	vsort.ascd.msk.f32 $0xffff, v7, v7;
	v7 =	vmax.f32 v9, v10  }
0x8b: {  	(xrf1) =	vsort.ascd.msk.f32 $0xffff, v7, v7;
	v7 =	vmax.f32 v11, v8  }
0x8c: {  	(xrf1) =	vsort.ascd.msk.f32 $0xffff, v7, v7;
	_ =	sdelay $0xb  }
0x8d: {  	v8, _, _ =	vpop (xrf1)  }
0x8e: {  	v7, _, _ =	vpop (xrf1)  }
0x8f: {  	v9, _, _ =	vpop (xrf1)  }
0x90: {  	v9 =	vperm.xlane v9, v3;
	_ =	sdelay $0x1  }
0x91: {  	v7 =	vmax.f32 v7, v9  }
0x92: {  	(xrf1) =	vsort.ascd.msk.f32 $0xffff, v7, v7;
	_ =	sdelay $0xd  }
0x93: {  	v9, _, _ =	vpop (xrf1)  }
0x94: {  	_ =	swait.ge [sflag:s16], $0x8000  }
0x95: {  	[sflag:s16] =	ssyncset.done $0x0  }
0x96: {  	[sflag:s16] =	ssyncadd.s32 $0xFFFF8000  }
0x97: {  	s19 =	simm.s32 $0x8040;
	v7 =	vld.idx.msk [tilespmem:v2+s12+$0x0], $0xffff  }
0x98: {  	v10 =	vld [tilespmem:s19+$0xFFFFFFC0]  }
0x99: {  	v11 =	vld [tilespmem:s19+$0xFFFFFFD0]  }
0x9a: {  	s20 =	simm.s32 $0x0;
	v12 =	vld [tilespmem:s19+$0xFFFFFFE0]  }
0x9b: {  	s29 =	simm.s32 $0x10;
	v13 =	vor.u32 s20, v0;
	v14 =	vld [tilespmem:s19+$0xFFFFFFF0]  }
0x9c: {  	s30 =	simm.s32 $0x20;
	v15 =	vld [tilespmem:s19+$0x0];
	vm1 =	vlt.s32 v13, v7;
	v13 =	vor.u32 s29, v0  }
0x9d: {  	s31 =	simm.s32 $0x30;
	v16 =	vld [tilespmem:s19+$0x10];
	v10 =	vnsel vm1, $0xFF800000, v10;
	vm1 =	vlt.s32 v13, v7;
	v13 =	vor.u32 s30, v0  }
0x9e: {  	s21 =	simm.s32 $0x40;
	v17 =	vld [tilespmem:s19+$0x20];
	v11 =	vnsel vm1, $0xFF800000, v11;
	vm1 =	vlt.s32 v13, v7;
	v13 =	vor.u32 s31, v0;
	(xrf1) =	vsort.ascd.msk.f32 $0xffff, v10, v10  }
0x9f: {  	s22 =	simm.s32 $0x50;
	v10 =	vnsel vm1, $0xFF800000, v12;
	vm1 =	vlt.s32 v13, v7;
	v12 =	vor.u32 s21, v0;
	v13 =	vld [tilespmem:s19+$0x30];
	(xrf1) =	vsort.ascd.msk.f32 $0xffff, v11, v11  }
0xa0: {  	s23 =	simm.s32 $0x60;
	v11 =	vnsel vm1, $0xFF800000, v14;
	vm1 =	vlt.s32 v12, v7;
	v12 =	vor.u32 s22, v0;
	(xrf1) =	vsort.ascd.msk.f32 $0xffff, v10, v10  }
0xa1: {  	s24 =	simm.s32 $0x70;
	s25 =	simm.s32 $0x80C0;
	v10 =	vnsel vm1, $0xFF800000, v15;
	vm1 =	vlt.s32 v12, v7;
	v12 =	vor.u32 s23, v0;
	(xrf1) =	vsort.ascd.msk.f32 $0xffff, v11, v11  }
0xa2: {  	v11 =	vnsel vm1, $0xFF800000, v16;
	vm1 =	vlt.s32 v12, v7;
	v12 =	vor.u32 s24, v0;
	(xrf1) =	vsort.ascd.msk.f32 $0xffff, v10, v10;
	v10 =	vld [tilespmem:s25+$0xFFFFFFC0]  }
0xa3: {  	v14 =	vnsel vm1, $0xFF800000, v17;
	vm1 =	vlt.s32 v12, v7;
	(xrf1) =	vsort.ascd.msk.f32 $0xffff, v11, v11;
	v11 =	vld [tilespmem:s25+$0xFFFFFFD0]  }
0xa4: {  	s26 =	simm.s32 $0x80;
	v12 =	vnsel vm1, $0xFF800000, v13;
	(xrf1) =	vsort.ascd.msk.f32 $0xffff, v14, v14;
	v13 =	vld [tilespmem:s25+$0xFFFFFFE0]  }
0xa5: {  	s28 =	simm.s32 $0x90;
	v14 =	vld [tilespmem:s25+$0xFFFFFFF0];
	(xrf1) =	vsort.ascd.msk.f32 $0xffff, v12, v12;
	v12 =	vor.u32 s26, v0  }
0xa6: {  	s29 =	simm.s32 $0xA0;
	v15 =	vld [tilespmem:s25+$0x0];
	vm1 =	vlt.s32 v12, v7;
	v12 =	vor.u32 s28, v0  }
0xa7: {  	s30 =	simm.s32 $0xB0;
	v16 =	vld [tilespmem:s25+$0x10];
	v10 =	vnsel vm1, $0xFF800000, v10;
	vm1 =	vlt.s32 v12, v7;
	v12 =	vor.u32 s29, v0  }
0xa8: {  	s31 =	simm.s32 $0xC0;
	v17 =	vld [tilespmem:s25+$0x20];
	v11 =	vnsel vm1, $0xFF800000, v11;
	vm1 =	vlt.s32 v12, v7;
	v12 =	vor.u32 s30, v0  }
0xa9: {  	s21 =	simm.s32 $0xD0;
	(xrf1) =	vsort.ascd.msk.f32 $0xffff, v10, v10;
	v10 =	vnsel vm1, $0xFF800000, v13;
	vm1 =	vlt.s32 v12, v7;
	v12 =	vor.u32 s31, v0  }
0xaa: {  	s22 =	simm.s32 $0xE0;
	v13 =	vld [tilespmem:s25+$0x30];
	(xrf1) =	vsort.ascd.msk.f32 $0xffff, v11, v11;
	v11 =	vnsel vm1, $0xFF800000, v14;
	vm1 =	vlt.s32 v12, v7;
	v12 =	vor.u32 s21, v0  }
0xab: {  	(xrf1) =	vsort.ascd.msk.f32 $0xffff, v10, v10;
	v10 =	vnsel vm1, $0xFF800000, v15;
	vm1 =	vlt.s32 v12, v7;
	v12 =	vor.u32 s22, v0  }
0xac: {  	s23 =	simm.s32 $0xF0;
	(xrf1) =	vsort.ascd.msk.f32 $0xffff, v11, v11;
	v14 =	vnsel vm1, $0xFF800000, v16;
	vm1 =	vlt.s32 v12, v7  }
0xad: {  	v12 =	vor.u32 s23, v0;
	v11, _, _ =	vpop (xrf1);
	(xrf1) =	vsort.ascd.msk.f32 $0xffff, v10, v10;
	v15 =	vnsel vm1, $0xFF800000, v17  }
0xae: {  	vm1 =	vlt.s32 v12, v7;
	v10, _, _ =	vpop (xrf1);
	(xrf1) =	vsort.ascd.msk.f32 $0xffff, v14, v14;
	v11 =	vperm.xlane v11, v3  }
0xaf: {  	v12 =	vimm.f32 $-Inf;
	v13 =	vnsel vm1, $0xFF800000, v13;
	v14, _, _ =	vpop (xrf1);
	(xrf1) =	vsort.ascd.msk.f32 $0xffff, v15, v15;
	v10 =	vperm.xlane v10, v3  }
0xb0: {  	v15, _, _ =	vpop (xrf1);
	(xrf1) =	vsort.ascd.msk.f32 $0xffff, v13, v13;
	v11 =	vmax.f32 v12, v11;
	v13 =	vperm.xlane v14, v3  }
0xb1: {  	v10 =	vmax.f32 v12, v10  }
0xb2: {  	v14, _, _ =	vpop (xrf1);
	v15 =	vperm.xlane v15, v3;
	v13 =	vmax.f32 v12, v13  }
0xb3: {  	s19 =	simm.s32 $0x8140;
	(xrf1) =	vsort.ascd.msk.f32 $0xffff, v11, v11;
	v11, _, _ =	vpop (xrf1)  }
0xb4: {  	v16 =	vld [tilespmem:s19+$0xFFFFFFC0];
	v14 =	vperm.xlane v14, v3;
	(xrf1) =	vsort.ascd.msk.f32 $0xffff, v10, v10;
	v15 =	vmax.f32 v12, v15;
	v10, _, _ =	vpop (xrf1)  }
0xb5: {  	v17 =	vld [tilespmem:s19+$0xFFFFFFD0];
	v11 =	vperm.xlane v11, v3;
	(xrf1) =	vsort.ascd.msk.f32 $0xffff, v13, v13;
	v13, _, _ =	vpop (xrf1);
	v10 =	vperm.xlane v10, v3  }
0xb6: {  	s24 =	simm.s32 $0x100;
	v14 =	vmax.f32 v12, v14;
	(xrf1) =	vsort.ascd.msk.f32 $0xffff, v15, v15;
	v15 =	vld [tilespmem:s19+$0xFFFFFFE0];
	v13 =	vperm.xlane v13, v3  }
0xb7: {  	v18 =	vld [tilespmem:s19+$0xFFFFFFF0];
	s25 =	simm.s32 $0x110;
	v11 =	vmax.f32 v12, v11;
	(xrf1) =	vsort.ascd.msk.f32 $0xffff, v14, v14;
	v14 =	vor.u32 s24, v0;
	v10 =	vmax.f32 v12, v10  }
0xb8: {  	s26 =	simm.s32 $0x120;
	(xrf1) =	vsort.ascd.msk.f32 $0xffff, v11, v11;
	vm1 =	vlt.s32 v14, v7;
	v11 =	vor.u32 s25, v0;
	v14 =	vld [tilespmem:s19+$0x0];
	v12 =	vmax.f32 v12, v13  }
0xb9: {  	s28 =	simm.s32 $0x130;
	v19, _, _ =	vpop (xrf1);
	(xrf1) =	vsort.ascd.msk.f32 $0xffff, v10, v10;
	v10 =	vnsel vm1, $0xFF800000, v16;
	vm1 =	vlt.s32 v11, v7;
	v11 =	vor.u32 s26, v0;
	v16 =	vld [tilespmem:s19+$0x10]  }
0xba: {  	s29 =	simm.s32 $0x140;
	v20, _, _ =	vpop (xrf1);
	(xrf1) =	vsort.ascd.msk.f32 $0xffff, v12, v12;
	v12 =	vnsel vm1, $0xFF800000, v17;
	vm1 =	vlt.s32 v11, v7;
	v11 =	vor.u32 s28, v0;
	v17 =	vld [tilespmem:s19+$0x20]  }
0xbb: {  	v22 =	vld [tilespmem:s19+$0x30];
	s30 =	simm.s32 $0x150;
	v13 =	vor.u32 s29, v0;
	(xrf1) =	vsort.ascd.msk.f32 $0xffff, v10, v10;
	v10 =	vnsel vm1, $0xFF800000, v15;
	vm1 =	vlt.s32 v11, v7  }
0xbc: {  	s31 =	simm.s32 $0x160;
	v21, _, _ =	vpop (xrf1);
	(xrf1) =	vsort.ascd.msk.f32 $0xffff, v12, v12;
	v15 =	vnsel vm1, $0xFF800000, v18;
	vm1 =	vlt.s32 v13, v7;
	v13 =	vor.u32 s30, v0  }
0xbd: {  	s21 =	simm.s32 $0x170;
	v11, _, _ =	vpop (xrf1);
	(xrf1) =	vsort.ascd.msk.f32 $0xffff, v10, v10;
	v10 =	vnsel vm1, $0xFF800000, v14;
	vm1 =	vlt.s32 v13, v7;
	v14 =	vor.u32 s31, v0  }
0xbe: {  	v12, _, _ =	vpop (xrf1);
	(xrf1) =	vsort.ascd.msk.f32 $0xffff, v15, v15;
	v15 =	vnsel vm1, $0xFF800000, v16;
	vm1 =	vlt.s32 v14, v7;
	v16 =	vor.u32 s21, v0  }
0xbf: {  	v13, _, _ =	vpop (xrf1);
	v17 =	vnsel vm1, $0xFF800000, v17;
	vm1 =	vlt.s32 v16, v7  }
0xc0: {  	v18 =	vperm.xlane v19, v3;
	(xrf1) =	vsort.ascd.msk.f32 $0xffff, v10, v10;
	v14, _, _ =	vpop (xrf1);
	v19 =	vnsel vm1, $0xFF800000, v22  }
0xc1: {  	v6 =	vperm.xlane v6, v3;
	v8 =	vperm.xlane v8, v3;
	(xrf1) =	vsort.ascd.msk.f32 $0xffff, v15, v15;
	v15, _, _ =	vpop (xrf1)  }
0xc2: {  	v10 =	vperm.xlane v9, v3;
	v16 =	vperm.xlane v20, v3;
	(xrf1) =	vsort.ascd.msk.f32 $0xffff, v17, v17;
	v17, _, _ =	vpop (xrf1)  }
0xc3: {  	s20 =	simm.s32 $0x1F0;
	v9 =	vld.idx.msk [tilespmem:v2+s14+$0x0], $0xffff;
	(xrf1) =	vsort.ascd.msk.f32 $0xffff, v19, v19;
	v18 =	vmax.f32 v17, v18;
	v17 =	vperm.xlane v21, v3;
	v19, _, _ =	vpop (xrf1)  }
.LBB2_4:
0xc4: {  	p0 =	sne.s32 s20, $0x7FF0;
	v19 =	vmax.f32 v19, v16;
	v21 =	vperm.xlane v11, v3;
	(xrf1) =	vsort.ascd.msk.f32 $0xffff, v18, v18;
	v18, _, _ =	vpop (xrf1)  }
0xc5: {  	s19 =	sadd.s32 $0x80, s19;
	v22 =	vperm.xlane v12, v3;
	v17 =	vmax.f32 v18, v17;
	(xrf1) =	vsort.ascd.msk.f32 $0xffff, v19, v19;
	v16, _, _ =	vpop (xrf1)  }
0xc6: {  	v13 =	vperm.xlane v13, v3;
	v18 =	vld [tilespmem:s19+$0xFFFFFFC0];
	v19 =	vmax.f32 v16, v21;
	(xrf1) =	vsort.ascd.msk.f32 $0xffff, v17, v17;
	v16, _, _ =	vpop (xrf1)  }
0xc7: {  	v14 =	vperm.xlane v14, v3;
	v17 =	vld [tilespmem:s19+$0xFFFFFFD0];
	v20 =	vmax.f32 v16, v22;
	(xrf1) =	vsort.ascd.msk.f32 $0xffff, v19, v19;
	v11, _, _ =	vpop (xrf1)  }
0xc8: {  	s21 =	sadd.s32 $0xFFFFFF90, s20;
	v16 =	vld [tilespmem:s19+$0xFFFFFFE0];
	v21 =	vmax.f32 v11, v13;
	v13 =	vperm.xlane v15, v3;
	(xrf1) =	vsort.ascd.msk.f32 $0xffff, v20, v20;
	v12, _, _ =	vpop (xrf1)  }
0xc9: {  	v15 =	vor.u32 s21, v0;
	s21 =	sadd.s32 $0xFFFFFFA0, s20;
	v19 =	vld [tilespmem:s19+$0xFFFFFFF0];
	v12 =	vmax.f32 v12, v14;
	(xrf1) =	vsort.ascd.msk.f32 $0xffff, v21, v21;
	v11, _, _ =	vpop (xrf1)  }
0xca: {  	vm1 =	vlt.s32 v15, v7;
	v14 =	vor.u32 s21, v0;
	s21 =	sadd.s32 $0xFFFFFFB0, s20;
	v15 =	vld [tilespmem:s19+$0x0];
	v20, _, _ =	vpop (xrf1);
	v11 =	vmax.f32 v11, v13;
	(xrf1) =	vsort.ascd.msk.f32 $0xffff, v12, v12  }
0xcb: {  	v13 =	vor.u32 s21, v0;
	s21 =	sadd.s32 $0xFFFFFFC0, s20;
	v12 =	vnsel vm1, $0xFF800000, v18;
	vm1 =	vlt.s32 v14, v7;
	v14 =	vld [tilespmem:s19+$0x10];
	v18, _, _ =	vpop (xrf1);
	(xrf1) =	vsort.ascd.msk.f32 $0xffff, v11, v11  }
0xcc: {  	v22 =	vnsel vm1, $0xFF800000, v17;
	vm1 =	vlt.s32 v13, v7;
	v13 =	vor.u32 s21, v0;
	s21 =	sadd.s32 $0xFFFFFFD0, s20;
	v17 =	vld [tilespmem:s19+$0x20];
	(xrf1) =	vsort.ascd.msk.f32 $0xffff, v12, v12;
	v21, _, _ =	vpop (xrf1)  }
0xcd: {  	v23 =	vnsel vm1, $0xFF800000, v16;
	vm1 =	vlt.s32 v13, v7;
	v25 =	vor.u32 s21, v0;
	s21 =	sadd.s32 $0xFFFFFFE0, s20;
	v16 =	vld [tilespmem:s19+$0x30];
	(xrf1) =	vsort.ascd.msk.f32 $0xffff, v22, v22;
	v11, _, _ =	vpop (xrf1)  }
0xce: {  	v19 =	vnsel vm1, $0xFF800000, v19;
	vm1 =	vlt.s32 v25, v7;
	v24 =	vor.u32 s21, v0;
	s21 =	sadd.s32 $0xFFFFFFF0, s20;
	(xrf1) =	vsort.ascd.msk.f32 $0xffff, v23, v23;
	v12, _, _ =	vpop (xrf1)  }
.Ltmp1:
0xcf: {  	v23 =	vnsel vm1, $0xFF800000, v15;
	vm1 =	vlt.s32 v24, v7;
	v22 =	vor.u32 s21, v0;
	(xrf1) =	vsort.ascd.msk.f32 $0xffff, v19, v19;
	v13, _, _ =	vpop (xrf1);
	(pc) =	sbr.rel @p0 .LBB2_4-.Ltmp1, $4  }
0xd0: {  	v19 =	vnsel vm1, $0xFF800000, v14;
	vm1 =	vlt.s32 v22, v7;
	v22 =	vor.u32 s20, v0;
	(xrf1) =	vsort.ascd.msk.f32 $0xffff, v23, v23;
	v14, _, _ =	vpop (xrf1)  }
0xd1: {  	v23 =	vnsel vm1, $0xFF800000, v17;
	vm1 =	vlt.s32 v22, v7;
	(xrf1) =	vsort.ascd.msk.f32 $0xffff, v19, v19;
	v22 =	vperm.xlane v20, v3;
	v15, _, _ =	vpop (xrf1)  }
0xd2: {  	v20 =	vnsel vm1, $0xFF800000, v16;
	(xrf1) =	vsort.ascd.msk.f32 $0xffff, v23, v23;
	v16 =	vperm.xlane v18, v3;
	v17, _, _ =	vpop (xrf1)  }
0xd3: {  	s20 =	sadd.s32 $0x80, s20;
	(xrf1) =	vsort.ascd.msk.f32 $0xffff, v20, v20;
	v18 =	vmax.f32 v17, v22;
	v17 =	vperm.xlane v21, v3;
	v19, _, _ =	vpop (xrf1)  }
0xd4: {  	v7 =	vmax.f32 v19, v16;
	v11 =	vperm.xlane v11, v3;
	(xrf1) =	vsort.ascd.msk.f32 $0xffff, v18, v18;
	v60, _, _ =	vpop (xrf1)  }
0xd5: {  	v12 =	vperm.xlane v12, v3;
	v16 =	vmax.f32 v60, v17;
	(xrf1) =	vsort.ascd.msk.f32 $0xffff, v7, v7;
	v61, _, _ =	vpop (xrf1)  }
0xd6: {  	v62 =	vperm.xlane v13, v3;
	v7 =	vmax.f32 v61, v11;
	(xrf1) =	vsort.ascd.msk.f32 $0xffff, v16, v16;
	v63, _, _ =	vpop (xrf1)  }
0xd7: {  	v16 =	vperm.xlane v14, v3;
	v12 =	vmax.f32 v63, v12;
	(xrf1) =	vsort.ascd.msk.f32 $0xffff, v7, v7;
	v17, _, _ =	vpop (xrf1)  }
0xd8: {  	v18 =	vperm.xlane v15, v3;
	v7 =	vmax.f32 v17, v62;
	(xrf1) =	vsort.ascd.msk.f32 $0xffff, v12, v12;
	v19, _, _ =	vpop (xrf1)  }
0xd9: {  	v12 =	vmax.f32 v19, v16;
	(xrf1) =	vsort.ascd.msk.f32 $0xffff, v7, v7;
	v20, _, _ =	vpop (xrf1)  }
0xda: {  	v21, _, _ =	vpop (xrf1);
	v7 =	vmax.f32 v20, v18;
	(xrf1) =	vsort.ascd.msk.f32 $0xffff, v12, v12  }
0xdb: {  	v22, _, _ =	vpop (xrf1);
	(xrf1) =	vsort.ascd.msk.f32 $0xffff, v7, v7  }
0xdc: {  	v23, _, _ =	vpop (xrf1)  }
0xdd: {  	v24, _, _ =	vpop (xrf1)  }
0xde: {  	v25, _, _ =	vpop (xrf1)  }
0xdf: {  	v26, _, _ =	vpop (xrf1)  }
0xe0: {  	v27, _, _ =	vpop (xrf1)  }
0xe1: {  	v13 =	vperm.xlane v21, v3;
	v28, _, _ =	vpop (xrf1)  }
0xe2: {  	v11 =	vperm.xlane v22, v3;
	v18, _, _ =	vpop (xrf1)  }
0xe3: {  	v7 =	vperm.xlane v23, v3;
	v13 =	vmax.f32 v18, v13;
	v29, _, _ =	vpop (xrf1)  }
0xe4: {  	v12 =	vperm.xlane v24, v3;
	v11 =	vmax.f32 v29, v11;
	(xrf1) =	vsort.ascd.msk.f32 $0xffff, v13, v13;
	v30, _, _ =	vpop (xrf1)  }
0xe5: {  	v31 =	vperm.xlane v25, v3;
	v7 =	vmax.f32 v30, v7;
	(xrf1) =	vsort.ascd.msk.f32 $0xffff, v11, v11;
	v32, _, _ =	vpop (xrf1)  }
0xe6: {  	v33 =	vperm.xlane v26, v3;
	v11 =	vmax.f32 v32, v12;
	(xrf1) =	vsort.ascd.msk.f32 $0xffff, v7, v7;
	v34, _, _ =	vpop (xrf1)  }
0xe7: {  	v35 =	vperm.xlane v27, v3;
	v7 =	vmax.f32 v34, v31;
	(xrf1) =	vsort.ascd.msk.f32 $0xffff, v11, v11;
	v36, _, _ =	vpop (xrf1)  }
0xe8: {  	v37 =	vperm.xlane v28, v3;
	v11 =	vmax.f32 v36, v33;
	(xrf1) =	vsort.ascd.msk.f32 $0xffff, v7, v7;
	v38, _, _ =	vpop (xrf1)  }
0xe9: {  	v7 =	vmax.f32 v38, v35;
	(xrf1) =	vsort.ascd.msk.f32 $0xffff, v11, v11;
	v39, _, _ =	vpop (xrf1)  }
0xea: {  	v11 =	vmax.f32 v39, v37;
	(xrf1) =	vsort.ascd.msk.f32 $0xffff, v7, v7  }
0xeb: {  	v5 =	vmax.f32 v5, v6;
	(xrf1) =	vsort.ascd.msk.f32 $0xffff, v11, v11  }
0xec: {  	(xrf1) =	vsort.ascd.msk.f32 $0xffff, v5, v5;
	_ =	sdelay $0x5  }
0xed: {  	v5, _, _ =	vpop (xrf1)  }
0xee: {  	v40, _, _ =	vpop (xrf1)  }
0xef: {  	v41, _, _ =	vpop (xrf1)  }
0xf0: {  	v42, _, _ =	vpop (xrf1)  }
0xf1: {  	v43, _, _ =	vpop (xrf1)  }
0xf2: {  	v44, _, _ =	vpop (xrf1)  }
0xf3: {  	v45, _, _ =	vpop (xrf1)  }
0xf4: {  	v46, _, _ =	vpop (xrf1)  }
0xf5: {  	v47, _, _ =	vpop (xrf1)  }
0xf6: {  	v8 =	vmax.f32 v47, v8  }
0xf7: {  	(xrf1) =	vsort.ascd.msk.f32 $0xffff, v8, v8;
	_ =	sdelay $0xd  }
0xf8: {  	v6 =	vperm.xlane v40, v3;
	v8, _, _ =	vpop (xrf1)  }
0xf9: {  	v48 =	vperm.xlane v42, v3;
	v8 =	vmax.f32 v8, v10  }
0xfa: {  	v5 =	vmax.f32 v5, v6;
	v49 =	vperm.xlane v44, v3;
	(xrf1) =	vsort.ascd.msk.f32 $0xffff, v8, v8  }
0xfb: {  	v50 =	vperm.xlane v46, v3;
	(xrf1) =	vsort.ascd.msk.f32 $0xffff, v5, v5;
	v5 =	vmax.f32 v41, v48  }
0xfc: {  	(xrf1) =	vsort.ascd.msk.f32 $0xffff, v5, v5;
	v5 =	vmax.f32 v43, v49  }
0xfd: {  	(xrf1) =	vsort.ascd.msk.f32 $0xffff, v5, v5;
	v5 =	vmax.f32 v45, v50  }
0xfe: {  	(xrf1) =	vsort.ascd.msk.f32 $0xffff, v5, v5;
	_ =	sdelay $0x9  }
0xff: {  	v5, _, _ =	vpop (xrf1)  }
0x100: {  	v51, _, _ =	vpop (xrf1)  }
0x101: {  	v52, _, _ =	vpop (xrf1)  }
0x102: {  	v53, _, _ =	vpop (xrf1)  }
0x103: {  	v7 =	vperm.xlane v52, v3;
	v54, _, _ =	vpop (xrf1)  }
0x104: {  	v10 =	vperm.xlane v54, v3  }
0x105: {  	v6 =	vmax.f32 v51, v7  }
0x106: {  	(xrf1) =	vsort.ascd.msk.f32 $0xffff, v6, v6;
	v55 =	vmax.f32 v53, v10  }
0x107: {  	(xrf1) =	vsort.ascd.msk.f32 $0xffff, v55, v55;
	_ =	sdelay $0xc  }
0x108: {  	v56, _, _ =	vpop (xrf1)  }
0x109: {  	v57, _, _ =	vpop (xrf1)  }
0x10a: {  	v7 =	vperm.xlane v57, v3;
	_ =	sdelay $0x1  }
0x10b: {  	v6 =	vmax.f32 v56, v7  }
0x10c: {  	(xrf1) =	vsort.ascd.msk.f32 $0xffff, v6, v6;
	_ =	sdelay $0xc  }
0x10d: {  	vm1 =	vmmov $0xff  }
0x10e: {  	v58 =	vsel vm1, $0x0, v5;
	v59, _, _ =	vpop (xrf1)  }
0x10f: {  	(xrf2) =	vadd.scan.msk.f32 $0xffff, v58;
	v60 =	vsel vm1, $0x0, v59  }
0x110: {  	(xrf2) =	vadd.scan.msk.f32 $0xffff, v60;
	_ =	sdelay $0x8  }
0x111: {  	v61, _, _ =	vpop (xrf2)  }
0x112: {  	(v2sf) =	vpush v61, $0xF;
	v62, _, _ =	vpop (xrf2)  }
0x113: {  	(v2sf) =	vpush v62, $0xF;
	_ =	sdelay $0x7  }
0x114: {  	(xrf0) =	vmax.scan.msk.f32 $0xffff, v5  }
0x115: {  	(xrf0) =	vmax.scan.msk.f32 $0xffff, v59;
	_ =	sdelay $0x4  }
0x116: {  	v5, _, _ =	vpop (xrf0);
	s19 =	spop (v2sf)  }
0x117: {  	v63, _, _ =	vpop (xrf0);
	s20 =	spop (v2sf)  }
0x118: {  	v6 =	vbroadcast v63, $0xF;
	s20 =	smul.f32 $1.250000000e-01, s20  }
0x119: {  	v5 =	vbroadcast v5, $0xF;
	s19 =	smul.f32 $1.250000000e-01, s19;
	vm1 =	veq.f32 v9, $0.0e+00  }
0x11a: {  	v6 =	vnsel vm1, s20, v6;
	vm1 =	veq.f32 v4, $0.0e+00  }
0x11b: {  	s18 =	sadd.s32 $0x1, s18;
	v4 =	vnsel vm1, s19, v5;
	v5 =	vsel vm0, $0x0, v6;
	vm1 =	vmmov $0x1  }
0x11c: {  	p0 =	sne.s32 s18, s8;
	v4 =	vsel vm1, v4, v5  }
.Ltmp2:
0x11d: {  	[tilespmem:$0x10100] =	vst v4;
	(pc) =	sbr.rel @p0 .LBB2_1-.Ltmp2, $4  }
0x11e: {  	[hbm4b:s7+s4] =	stream.linear.scatter [tilespmem:s17], [sflag:$0x3], $0x80, $0x38;
	[tilespmem:$0x10180] =	vst v63  }
0x11f: {  	_ =	swait.ge [sflag:s13], $0x80  }
0x120: {  	[sflag:s13] =	ssyncset.done $0x0  }
0x121: {  	[sflag:s13] =	ssyncadd.s32 $0xFFFFFF80  }
0x122: {  	_ =	sfence.sel $0x180000  }
0x123: {  	[bflag:$0x0] =	sbarrier.arrive $0xFFFF  }
0x124: {  	p0 =	sne.s32 s0, $0x0;
	_ =	strace $0x90000047  }
0x125: {  	s0 =	sadd.s32 @!p0 $0x100000, s2;
	[bflag:$0x2] =	sbarrier.arrive $0xFFFF  }
0x126: {  	[sflag:s0] =	ssyncadd.tile.s32 @!p0 $0x1;
	_ =	shalt  }
.Lfunc_end2:
_tile_overlayer_lowered:
.L_overlay_start_2:
0x127: {  	(tag) =	ssettag $0x2  }
0x128: {  	s0 =	rddreg [dreg:$0x0];
	s2 =	stileid.u32  }
0x129: {  	s1 =	rddreg [dreg:$0x1];
	p0 =	sne.s32 s2, $0x0  }
0x12a: {  	s3 =	rddreg [dreg:$0x2];
	[bflag:$0x3] =	sbarrier.arrive $0xFFFF;
	s2 =	simm.s32 @!p0 $0x1C03  }
0x12b: {  	[timem:s3], [sflag:s2] =	dma.local @!p0 [hbm:s0], s1  }
0x12c: {  	s0 =	simm.s32 @!p0 $0x3  }
0x12d: {  	_ =	swait.ge @!p0 [sflag:s0], s1  }
0x12e: {  	s1 =	ssub.s32 @!p0 $0x0, s1;
	[sflag:s0] =	ssyncset.done @!p0 $0x0  }
0x12f: {  	[sflag:s0] =	ssyncadd.s32 @!p0 s1  }
0x130: {  	[bflag:$0x3] =	sbarrier.arrive $0xFFFF  }
0x131: {  	_ =	shalt  }

</sc_bundles>
